<compile_context>
chip_gen: v7x
topology: tpu7x:2x2x1
jax: 0.10.2.dev20260603
libtpu: 0.0.44.dev20260713+nightly
codegen_flags: <defaults>
</compile_context>

<pallas_src>
import jax
import jax.numpy as jnp
from jax import lax
from jax.experimental import pallas as pl
from jax.experimental.pallas import tpu as pltpu
from jax.experimental.pallas import tpu_sc as plsc

D_MODEL = 768
RANK = 32
N_COMPRESS = 64
TOP_K = 2
S_TOKENS = 2048
TC_BLK = 512

NC = 2
NS = 16
LANES = 16
NW = NC * NS
TPW = S_TOKENS // NW
NGRP = TPW // LANES


def _dense_body(x_ref, rt_ref, wf_ref, scores_ref, proj_ref):
    xb = x_ref[...]
    scores_ref[...] = jnp.dot(xb, rt_ref[...], preferred_element_type=jnp.float32)
    proj = jnp.dot(xb.astype(jnp.bfloat16), wf_ref[...],
                   preferred_element_type=jnp.float32)
    proj_ref[...] = proj.reshape(TC_BLK * 16, 128)


def _route_body(scores_hbm, proj_hbm,
                out_hbm, w1_hbm, w2_hbm, i1_hbm, i2_hbm,
                scores_v, idx_v, rows_v, w1_v, w2_v, i1_v, i2_v, out_v, sem):
    cid = lax.axis_index("c")
    sid = lax.axis_index("s")
    wid = sid * NC + cid
    base = wid * TPW

    pltpu.sync_copy(scores_hbm.at[pl.ds(base, TPW)], scores_v)
    lane = lax.broadcasted_iota(jnp.int32, (LANES,), 0)

    def tk_body(e, carry):
        e_vec = jnp.full((LANES,), e, dtype=jnp.int32)
        outs = []
        for g in range(NGRP):
            m1, i1, m2, i2 = carry[4 * g:4 * g + 4]
            v = plsc.load_gather(scores_v, [g * LANES + lane, e_vec])
            gt1 = v > m1
            gt2 = v > m2
            outs.append(jnp.where(gt1, v, m1))
            outs.append(jnp.where(gt1, e_vec, i1))
            outs.append(jnp.where(gt1, m1, jnp.where(gt2, v, m2)))
            outs.append(jnp.where(gt1, i1, jnp.where(gt2, e_vec, i2)))
        return tuple(outs)

    ninf = jnp.full((LANES,), -jnp.inf, jnp.float32)
    zero = jnp.zeros((LANES,), jnp.int32)
    init = (ninf, zero, ninf, zero) * NGRP
    tk = lax.fori_loop(0, N_COMPRESS, tk_body, init)

    for g in range(NGRP):
        m1, i1, m2, i2 = tk[4 * g:4 * g + 4]
        ee = jnp.exp(m2 - m1)
        w1 = 1.0 / (1.0 + ee)
        w2 = ee * w1

        sl = pl.ds(g * LANES, LANES)
        w1_v[sl] = w1
        w2_v[sl] = w2
        i1_v[sl] = i1
        i2_v[sl] = i2
        tglob = base + g * LANES + lane
        idx_v[sl] = tglob * (N_COMPRESS // 4) + jnp.right_shift(i1, 2)
        idx_v[pl.ds(TPW + g * LANES, LANES)] = (
            tglob * (N_COMPRESS // 4) + jnp.right_shift(i2, 2))

    pltpu.async_copy(proj_hbm.at[idx_v], rows_v, sem).wait()

    def cmb_body(j, _):
        for g in range(NGRP):
            t = g * LANES + j
            w1s = w1_v[pl.ds(t, LANES)][0]
            w2s = w2_v[pl.ds(t, LANES)][0]
            o1 = (i1_v[pl.ds(t, LANES)][0] & 3) * RANK
            o2 = (i2_v[pl.ds(t, LANES)][0] & 3) * RANK
            for h in range(RANK // LANES):
                out_v[t, pl.ds(h * LANES, LANES)] = (
                    w1s * rows_v[t, pl.ds(o1 + h * LANES, LANES)]
                    + w2s * rows_v[TPW + t, pl.ds(o2 + h * LANES, LANES)])
        return 0

    lax.fori_loop(0, LANES, cmb_body, 0)

    cps = [
        pltpu.async_copy(out_v, out_hbm.at[pl.ds(base, TPW)], sem),
        pltpu.async_copy(w1_v.at[pl.ds(0, TPW)], w1_hbm.at[pl.ds(base, TPW)], sem),
        pltpu.async_copy(w2_v.at[pl.ds(0, TPW)], w2_hbm.at[pl.ds(base, TPW)], sem),
        pltpu.async_copy(i1_v.at[pl.ds(0, TPW)], i1_hbm.at[pl.ds(base, TPW)], sem),
        pltpu.async_copy(i2_v.at[pl.ds(0, TPW)], i2_hbm.at[pl.ds(base, TPW)], sem),
    ]
    for c in cps:
        c.wait()


@jax.jit
def kernel(x, compress_neurons, router_W):
    b, s, d = x.shape
    xs = x.reshape(s, d)
    rt = router_W.T
    wf = compress_neurons.transpose(1, 0, 2).reshape(
        d, N_COMPRESS * RANK).astype(jnp.bfloat16)

    scores, proj = pl.pallas_call(
        _dense_body,
        grid=(s // TC_BLK,),
        in_specs=[
            pl.BlockSpec((TC_BLK, d), lambda i: (i, 0)),
            pl.BlockSpec((d, N_COMPRESS), lambda i: (0, 0)),
            pl.BlockSpec((d, N_COMPRESS * RANK), lambda i: (0, 0)),
        ],
        out_specs=[
            pl.BlockSpec((TC_BLK, N_COMPRESS), lambda i: (i, 0)),
            pl.BlockSpec((TC_BLK * 16, 128), lambda i: (i, 0)),
        ],
        out_shape=[
            jax.ShapeDtypeStruct((s, N_COMPRESS), jnp.float32),
            jax.ShapeDtypeStruct((s * 16, 128), jnp.float32),
        ],
    )(xs, rt, wf)

    proj_rows = proj

    mesh = plsc.VectorSubcoreMesh(core_axis_name="c", subcore_axis_name="s")
    route = pl.kernel(
        _route_body,
        out_type=[
            jax.ShapeDtypeStruct((s, RANK), jnp.float32),
            jax.ShapeDtypeStruct((s,), jnp.float32),
            jax.ShapeDtypeStruct((s,), jnp.float32),
            jax.ShapeDtypeStruct((s,), jnp.int32),
            jax.ShapeDtypeStruct((s,), jnp.int32),
        ],
        mesh=mesh,
        compiler_params=pltpu.CompilerParams(needs_layout_passes=False),
        scratch_types=[
            pltpu.VMEM((TPW, N_COMPRESS), jnp.float32),
            pltpu.VMEM((TOP_K * TPW,), jnp.int32),
            pltpu.VMEM((TOP_K * TPW, 128), jnp.float32),
            pltpu.VMEM((TPW + LANES,), jnp.float32),
            pltpu.VMEM((TPW + LANES,), jnp.float32),
            pltpu.VMEM((TPW + LANES,), jnp.int32),
            pltpu.VMEM((TPW + LANES,), jnp.int32),
            pltpu.VMEM((TPW, RANK), jnp.float32),
            pltpu.SemaphoreType.DMA,
        ],
    )
    out, w1, w2, i1, i2 = route(scores, proj_rows)

    weights = jnp.stack([w1, w2], axis=-1)
    topk_idx = jnp.stack([i1, i2], axis=-1)
    return (out.reshape(b, s, RANK),
            weights.reshape(b, s, TOP_K),
            topk_idx.reshape(b, s, TOP_K),
            scores.reshape(b, s, N_COMPRESS))

# --- scband reference (transcript-rebuilt; emitter-appended) ---
"""Pipeline reference for scband-compressor-45140106281443 (READ-ONLY COPY).

The authoritative reference and input builder live on the scoring server;
editing this copy changes nothing except your own understanding.
"""

import jax, jax.numpy as jnp
import numpy as np

D_MODEL = 768
RANK = 32
N_COMPRESS = 64
TOP_K = 2
B = 1
S = 2048


def setup_inputs(seed: int = 0) -> dict:
    key = jax.random.key(seed)
    k1, k2, k3 = jax.random.split(key, 3)
    x = jax.random.normal(k1, (B, S, D_MODEL), dtype=jnp.float32)
    # SharedNeurons.compress_neurons: [n_compress, d_model, rank] (orthogonal-ish init approximated by scaled normal)
    compress_neurons = jax.random.normal(k2, (N_COMPRESS, D_MODEL, RANK), dtype=jnp.float32) / jnp.sqrt(D_MODEL)
    # router: nn.Linear(d_model, n_compress, bias=False) -> weight [n_compress, d_model]
    router_W = jax.random.normal(k3, (N_COMPRESS, D_MODEL), dtype=jnp.float32) * 0.02
    return {"x": x, "compress_neurons": compress_neurons, "router_W": router_W}


def reference(x, compress_neurons, router_W):
    # scores = self.router(x): [B, S, n_compress]
    scores = jnp.einsum('bsd,nd->bsn', x, router_W)
    # top-k selection (add_noise=False path)
    topk_scores, topk_idx = jax.lax.top_k(scores, TOP_K)
    # softmax over selected
    weights = jax.nn.softmax(topk_scores, axis=-1)
    # gather selected neurons: [B, S, K, D, R]
    selected_neurons = jnp.take(compress_neurons, topk_idx, axis=0)
    # proj = einsum('bskd,bskdr->bskr', x_expanded, selected_neurons)
    proj = jnp.einsum('bsd,bskdr->bskr', x, selected_neurons)
    # weighted sum over top-k: [B, S, rank]
    output = jnp.sum(proj * weights[..., None], axis=2)
    return (output, weights, topk_idx, scores)

if __name__ == "__main__":
    import jax
    _d = setup_inputs()
    print(jax.jit(kernel)(*tuple(_d.values())))

</pallas_src>

<mosaic_0001>
#map = affine_map<(d0, d1) -> (0, 0)>
#map1 = affine_map<(d0, d1) -> (0)>
module attributes {stable_mosaic.version = 14 : i64} {
  func.func @_route_body(%arg0: i32, %arg1: i32, %arg2: memref<2048x64xf32, #tpu.memory_space<hbm>>, %arg3: memref<32768x128xf32, #tpu.memory_space<hbm>>, %arg4: memref<2048x32xf32, #tpu.memory_space<hbm>>, %arg5: memref<2048xf32, #tpu.memory_space<hbm>>, %arg6: memref<2048xf32, #tpu.memory_space<hbm>>, %arg7: memref<2048xi32, #tpu.memory_space<hbm>>, %arg8: memref<2048xi32, #tpu.memory_space<hbm>>, %arg9: memref<64x64xf32, #tpu.memory_space<vmem>>, %arg10: memref<128xi32, #tpu.memory_space<vmem>>, %arg11: memref<128x128xf32, #tpu.memory_space<vmem>>, %arg12: memref<80xf32, #tpu.memory_space<vmem>>, %arg13: memref<80xf32, #tpu.memory_space<vmem>>, %arg14: memref<80xi32, #tpu.memory_space<vmem>>, %arg15: memref<80xi32, #tpu.memory_space<vmem>>, %arg16: memref<64x32xf32, #tpu.memory_space<vmem>>, %arg17: memref<!tpu.dma_semaphore, #tpu.memory_space<semaphore_mem>>) attributes {dimension_semantics = [#tpu.dimension_semantics<core_parallel>, #tpu.dimension_semantics<subcore_parallel>], iteration_bounds = array<i64: 2, 16>, scalar_prefetch = 0 : i64, scratch_operands = 9 : i64, tpu.core_type = #tpu.core_type<sc_vector_subcore>, window_params = [{transform_indices = #map}, {transform_indices = #map}, {transform_indices = #map}, {transform_indices = #map1}, {transform_indices = #map1}, {transform_indices = #map1}, {transform_indices = #map1}]} {
    %mul3A = arith.constant 2 : i32
    %mul3A_0 = arith.muli %arg1, %mul3A : i32
    %add3A = arith.addi %mul3A_0, %arg0 : i32
    %mul3A_1 = arith.constant 64 : i32
    %mul3A_2 = arith.muli %add3A, %mul3A_1 : i32
    "tpu.region"() ({
      %run_scoped3A = tpu.sem_alloc : memref<!tpu.dma_semaphore, #tpu.memory_space<semaphore_mem>>
      %dma_start3A_229 = arith.constant 0 : i32
      %dma_start3A_230 = tpu.memref_slice %arg2[%mul3A_2, %dma_start3A_229] : memref<2048x64xf32, #tpu.memory_space<hbm>> -> memref<64x64xf32, #tpu.memory_space<hbm>>
      %dma_start3A_231 = arith.constant 0 : i32
      %dma_start3A_232 = tpu.memref_slice %arg2[%mul3A_2, %dma_start3A_231] : memref<2048x64xf32, #tpu.memory_space<hbm>> -> memref<64x64xf32, #tpu.memory_space<hbm>>
      tpu.enqueue_dma source(%dma_start3A_232 : memref<64x64xf32, #tpu.memory_space<hbm>>) target(%arg9 : memref<64x64xf32, #tpu.memory_space<vmem>>) target_semaphore(%run_scoped3A : memref<!tpu.dma_semaphore, #tpu.memory_space<semaphore_mem>>)
      %dma_wait3A_233 = arith.constant 0 : i32
      %dma_wait3A_234 = tpu.memref_slice %arg2[%mul3A_2, %dma_wait3A_233] : memref<2048x64xf32, #tpu.memory_space<hbm>> -> memref<64x64xf32, #tpu.memory_space<hbm>>
      %dma_wait3A_235 = arith.constant 0 : i32
      %dma_wait3A_236 = tpu.memref_slice %arg2[%mul3A_2, %dma_wait3A_235] : memref<2048x64xf32, #tpu.memory_space<hbm>> -> memref<64x64xf32, #tpu.memory_space<hbm>>
      tpu.wait_dma2 semaphore(%run_scoped3A : memref<!tpu.dma_semaphore, #tpu.memory_space<semaphore_mem>>) src(%dma_wait3A_236 : memref<64x64xf32, #tpu.memory_space<hbm>>) dst(%arg9 : memref<64x64xf32, #tpu.memory_space<vmem>>)
      tpu.yield
    }) : () -> ()
    %iota3A = tpu.iota {dimensions = array<i32: 0>} : vector<16xi32>
    %broadcast_in_dim3A = arith.constant 0xFF800000 : f32
    %broadcast_in_dim3A_3 = vector.broadcast %broadcast_in_dim3A : f32 to vector<16xf32>
    %broadcast_in_dim3A_4 = arith.constant 0 : i32
    %broadcast_in_dim3A_5 = vector.broadcast %broadcast_in_dim3A_4 : i32 to vector<16xi32>
    %scan3A = arith.constant 0 : i32
    %scan3A_6 = arith.constant 64 : i32
    %scan3A_7 = arith.addi %scan3A, %scan3A_6 : i32
    %scan3A_8 = arith.constant 1 : i32
    %scan3A_9:16 = scf.for %scan3A_229 = %scan3A to %scan3A_7 step %scan3A_8 iter_args(%scan3A_230 = %broadcast_in_dim3A_3, %scan3A_231 = %broadcast_in_dim3A_5, %scan3A_232 = %broadcast_in_dim3A_3, %scan3A_233 = %broadcast_in_dim3A_5, %scan3A_234 = %broadcast_in_dim3A_3, %scan3A_235 = %broadcast_in_dim3A_5, %scan3A_236 = %broadcast_in_dim3A_3, %scan3A_237 = %broadcast_in_dim3A_5, %scan3A_238 = %broadcast_in_dim3A_3, %scan3A_239 = %broadcast_in_dim3A_5, %scan3A_240 = %broadcast_in_dim3A_3, %scan3A_241 = %broadcast_in_dim3A_5, %scan3A_242 = %broadcast_in_dim3A_3, %scan3A_243 = %broadcast_in_dim3A_5, %scan3A_244 = %broadcast_in_dim3A_3, %scan3A_245 = %broadcast_in_dim3A_5) -> (vector<16xf32>, vector<16xi32>, vector<16xf32>, vector<16xi32>, vector<16xf32>, vector<16xi32>, vector<16xf32>, vector<16xi32>, vector<16xf32>, vector<16xi32>, vector<16xf32>, vector<16xi32>, vector<16xf32>, vector<16xi32>, vector<16xf32>, vector<16xi32>)  : i32 {
      %broadcast_in_dim3A_246 = vector.broadcast %scan3A_229 : i32 to vector<16xi32>
      %add3A_247 = arith.constant 0 : i32
      %add3A_248 = vector.broadcast %add3A_247 : i32 to vector<16xi32>
      %add3A_249 = arith.addi %add3A_248, %iota3A : vector<16xi32>
      %gather3A = tpu.vector_load_idx %arg9[%add3A_249, %broadcast_in_dim3A_246] : memref<64x64xf32, #tpu.memory_space<vmem>>[vector<16xi32>, vector<16xi32>], vector<16xf32>,
      %gt3A = arith.cmpf ogt, %gather3A, %scan3A_230 : vector<16xf32>
      %gt3A_250 = arith.cmpf ogt, %gather3A, %scan3A_232 : vector<16xf32>
      %select_n3A = arith.select %gt3A, %gather3A, %scan3A_230 : vector<16xi1>, vector<16xf32>
      %select_n3A_251 = arith.select %gt3A, %broadcast_in_dim3A_246, %scan3A_231 : vector<16xi1>, vector<16xi32>
      %select_n3A_252 = arith.select %gt3A_250, %gather3A, %scan3A_232 : vector<16xi1>, vector<16xf32>
      %select_n3A_253 = arith.select %gt3A, %scan3A_230, %select_n3A_252 : vector<16xi1>, vector<16xf32>
      %select_n3A_254 = arith.select %gt3A_250, %broadcast_in_dim3A_246, %scan3A_233 : vector<16xi1>, vector<16xi32>
      %select_n3A_255 = arith.select %gt3A, %scan3A_231, %select_n3A_254 : vector<16xi1>, vector<16xi32>
      %add3A_256 = arith.constant 16 : i32
      %add3A_257 = vector.broadcast %add3A_256 : i32 to vector<16xi32>
      %add3A_258 = arith.addi %add3A_257, %iota3A : vector<16xi32>
      %gather3A_259 = tpu.vector_load_idx %arg9[%add3A_258, %broadcast_in_dim3A_246] : memref<64x64xf32, #tpu.memory_space<vmem>>[vector<16xi32>, vector<16xi32>], vector<16xf32>,
      %gt3A_260 = arith.cmpf ogt, %gather3A_259, %scan3A_234 : vector<16xf32>
      %gt3A_261 = arith.cmpf ogt, %gather3A_259, %scan3A_236 : vector<16xf32>
      %select_n3A_262 = arith.select %gt3A_260, %gather3A_259, %scan3A_234 : vector<16xi1>, vector<16xf32>
      %select_n3A_263 = arith.select %gt3A_260, %broadcast_in_dim3A_246, %scan3A_235 : vector<16xi1>, vector<16xi32>
      %select_n3A_264 = arith.select %gt3A_261, %gather3A_259, %scan3A_236 : vector<16xi1>, vector<16xf32>
      %select_n3A_265 = arith.select %gt3A_260, %scan3A_234, %select_n3A_264 : vector<16xi1>, vector<16xf32>
      %select_n3A_266 = arith.select %gt3A_261, %broadcast_in_dim3A_246, %scan3A_237 : vector<16xi1>, vector<16xi32>
      %select_n3A_267 = arith.select %gt3A_260, %scan3A_235, %select_n3A_266 : vector<16xi1>, vector<16xi32>
      %add3A_268 = arith.constant 32 : i32
      %add3A_269 = vector.broadcast %add3A_268 : i32 to vector<16xi32>
      %add3A_270 = arith.addi %add3A_269, %iota3A : vector<16xi32>
      %gather3A_271 = tpu.vector_load_idx %arg9[%add3A_270, %broadcast_in_dim3A_246] : memref<64x64xf32, #tpu.memory_space<vmem>>[vector<16xi32>, vector<16xi32>], vector<16xf32>,
      %gt3A_272 = arith.cmpf ogt, %gather3A_271, %scan3A_238 : vector<16xf32>
      %gt3A_273 = arith.cmpf ogt, %gather3A_271, %scan3A_240 : vector<16xf32>
      %select_n3A_274 = arith.select %gt3A_272, %gather3A_271, %scan3A_238 : vector<16xi1>, vector<16xf32>
      %select_n3A_275 = arith.select %gt3A_272, %broadcast_in_dim3A_246, %scan3A_239 : vector<16xi1>, vector<16xi32>
      %select_n3A_276 = arith.select %gt3A_273, %gather3A_271, %scan3A_240 : vector<16xi1>, vector<16xf32>
      %select_n3A_277 = arith.select %gt3A_272, %scan3A_238, %select_n3A_276 : vector<16xi1>, vector<16xf32>
      %select_n3A_278 = arith.select %gt3A_273, %broadcast_in_dim3A_246, %scan3A_241 : vector<16xi1>, vector<16xi32>
      %select_n3A_279 = arith.select %gt3A_272, %scan3A_239, %select_n3A_278 : vector<16xi1>, vector<16xi32>
      %add3A_280 = arith.constant 48 : i32
      %add3A_281 = vector.broadcast %add3A_280 : i32 to vector<16xi32>
      %add3A_282 = arith.addi %add3A_281, %iota3A : vector<16xi32>
      %gather3A_283 = tpu.vector_load_idx %arg9[%add3A_282, %broadcast_in_dim3A_246] : memref<64x64xf32, #tpu.memory_space<vmem>>[vector<16xi32>, vector<16xi32>], vector<16xf32>,
      %gt3A_284 = arith.cmpf ogt, %gather3A_283, %scan3A_242 : vector<16xf32>
      %gt3A_285 = arith.cmpf ogt, %gather3A_283, %scan3A_244 : vector<16xf32>
      %select_n3A_286 = arith.select %gt3A_284, %gather3A_283, %scan3A_242 : vector<16xi1>, vector<16xf32>
      %select_n3A_287 = arith.select %gt3A_284, %broadcast_in_dim3A_246, %scan3A_243 : vector<16xi1>, vector<16xi32>
      %select_n3A_288 = arith.select %gt3A_285, %gather3A_283, %scan3A_244 : vector<16xi1>, vector<16xf32>
      %select_n3A_289 = arith.select %gt3A_284, %scan3A_242, %select_n3A_288 : vector<16xi1>, vector<16xf32>
      %select_n3A_290 = arith.select %gt3A_285, %broadcast_in_dim3A_246, %scan3A_245 : vector<16xi1>, vector<16xi32>
      %select_n3A_291 = arith.select %gt3A_284, %scan3A_243, %select_n3A_290 : vector<16xi1>, vector<16xi32>
      scf.yield %select_n3A, %select_n3A_251, %select_n3A_253, %select_n3A_255, %select_n3A_262, %select_n3A_263, %select_n3A_265, %select_n3A_267, %select_n3A_274, %select_n3A_275, %select_n3A_277, %select_n3A_279, %select_n3A_286, %select_n3A_287, %select_n3A_289, %select_n3A_291 : vector<16xf32>, vector<16xi32>, vector<16xf32>, vector<16xi32>, vector<16xf32>, vector<16xi32>, vector<16xf32>, vector<16xi32>, vector<16xf32>, vector<16xi32>, vector<16xf32>, vector<16xi32>, vector<16xf32>, vector<16xi32>, vector<16xf32>, vector<16xi32>
    }
    %scan3A_10 = arith.constant 64 : i32
    %sub3A = arith.subf %scan3A_9#2, %scan3A_9#0 : vector<16xf32>
    %exp3A = math.exp %sub3A : vector<16xf32>
    %add3A_11 = arith.constant 1.000000e+00 : f32
    %add3A_12 = vector.broadcast %add3A_11 : f32 to vector<16xf32>
    %add3A_13 = arith.addf %add3A_12, %exp3A : vector<16xf32>
    %div3A = arith.constant 1.000000e+00 : f32
    %div3A_14 = vector.broadcast %div3A : f32 to vector<16xf32>
    %div3A_15 = arith.divf %div3A_14, %add3A_13 : vector<16xf32>
    %mul3A_16 = arith.mulf %exp3A, %div3A_15 : vector<16xf32>
    %swap3A = arith.constant 0 : index
    %swap3A_17 = tpu.vector_load %arg12[%swap3A] {strides = array<i32>} : memref<80xf32, #tpu.memory_space<vmem>>, vector<16xf32>,
    tpu.vector_store %arg12[%swap3A], %div3A_15 {strides = array<i32>} : memref<80xf32, #tpu.memory_space<vmem>>, vector<16xf32>,
    %swap3A_18 = arith.constant 0 : index
    %swap3A_19 = tpu.vector_load %arg13[%swap3A_18] {strides = array<i32>} : memref<80xf32, #tpu.memory_space<vmem>>, vector<16xf32>,
    tpu.vector_store %arg13[%swap3A_18], %mul3A_16 {strides = array<i32>} : memref<80xf32, #tpu.memory_space<vmem>>, vector<16xf32>,
    %swap3A_20 = arith.constant 0 : index
    %swap3A_21 = tpu.vector_load %arg14[%swap3A_20] {strides = array<i32>} : memref<80xi32, #tpu.memory_space<vmem>>, vector<16xi32>,
    tpu.vector_store %arg14[%swap3A_20], %scan3A_9#1 {strides = array<i32>} : memref<80xi32, #tpu.memory_space<vmem>>, vector<16xi32>,
    %swap3A_22 = arith.constant 0 : index
    %swap3A_23 = tpu.vector_load %arg15[%swap3A_22] {strides = array<i32>} : memref<80xi32, #tpu.memory_space<vmem>>, vector<16xi32>,
    tpu.vector_store %arg15[%swap3A_22], %scan3A_9#3 {strides = array<i32>} : memref<80xi32, #tpu.memory_space<vmem>>, vector<16xi32>,
    %add3A_24 = arith.constant 0 : i32
    %add3A_25 = arith.addi %mul3A_2, %add3A_24 : i32
    %add3A_26 = vector.broadcast %add3A_25 : i32 to vector<16xi32>
    %add3A_27 = arith.addi %add3A_26, %iota3A : vector<16xi32>
    %mul3A_28 = arith.constant 16 : i32
    %mul3A_29 = vector.broadcast %mul3A_28 : i32 to vector<16xi32>
    %mul3A_30 = arith.muli %add3A_27, %mul3A_29 : vector<16xi32>
    %shift_right_arithmetic3A = arith.constant 2 : i32
    %shift_right_arithmetic3A_31 = vector.broadcast %shift_right_arithmetic3A : i32 to vector<16xi32>
    %shift_right_arithmetic3A_32 = arith.shrsi %scan3A_9#1, %shift_right_arithmetic3A_31 : vector<16xi32>
    %add3A_33 = arith.addi %mul3A_30, %shift_right_arithmetic3A_32 : vector<16xi32>
    %swap3A_34 = arith.constant 0 : index
    %swap3A_35 = tpu.vector_load %arg10[%swap3A_34] {strides = array<i32>} : memref<128xi32, #tpu.memory_space<vmem>>, vector<16xi32>,
    tpu.vector_store %arg10[%swap3A_34], %add3A_33 {strides = array<i32>} : memref<128xi32, #tpu.memory_space<vmem>>, vector<16xi32>,
    %mul3A_36 = arith.constant 16 : i32
    %mul3A_37 = vector.broadcast %mul3A_36 : i32 to vector<16xi32>
    %mul3A_38 = arith.muli %add3A_27, %mul3A_37 : vector<16xi32>
    %shift_right_arithmetic3A_39 = arith.constant 2 : i32
    %shift_right_arithmetic3A_40 = vector.broadcast %shift_right_arithmetic3A_39 : i32 to vector<16xi32>
    %shift_right_arithmetic3A_41 = arith.shrsi %scan3A_9#3, %shift_right_arithmetic3A_40 : vector<16xi32>
    %add3A_42 = arith.addi %mul3A_38, %shift_right_arithmetic3A_41 : vector<16xi32>
    %swap3A_43 = arith.constant 64 : index
    %swap3A_44 = tpu.vector_load %arg10[%swap3A_43] {strides = array<i32>} : memref<128xi32, #tpu.memory_space<vmem>>, vector<16xi32>,
    tpu.vector_store %arg10[%swap3A_43], %add3A_42 {strides = array<i32>} : memref<128xi32, #tpu.memory_space<vmem>>, vector<16xi32>,
    %sub3A_45 = arith.subf %scan3A_9#6, %scan3A_9#4 : vector<16xf32>
    %exp3A_46 = math.exp %sub3A_45 : vector<16xf32>
    %add3A_47 = arith.constant 1.000000e+00 : f32
    %add3A_48 = vector.broadcast %add3A_47 : f32 to vector<16xf32>
    %add3A_49 = arith.addf %add3A_48, %exp3A_46 : vector<16xf32>
    %div3A_50 = arith.constant 1.000000e+00 : f32
    %div3A_51 = vector.broadcast %div3A_50 : f32 to vector<16xf32>
    %div3A_52 = arith.divf %div3A_51, %add3A_49 : vector<16xf32>
    %mul3A_53 = arith.mulf %exp3A_46, %div3A_52 : vector<16xf32>
    %swap3A_54 = arith.constant 16 : index
    %swap3A_55 = tpu.vector_load %arg12[%swap3A_54] {strides = array<i32>} : memref<80xf32, #tpu.memory_space<vmem>>, vector<16xf32>,
    tpu.vector_store %arg12[%swap3A_54], %div3A_52 {strides = array<i32>} : memref<80xf32, #tpu.memory_space<vmem>>, vector<16xf32>,
    %swap3A_56 = arith.constant 16 : index
    %swap3A_57 = tpu.vector_load %arg13[%swap3A_56] {strides = array<i32>} : memref<80xf32, #tpu.memory_space<vmem>>, vector<16xf32>,
    tpu.vector_store %arg13[%swap3A_56], %mul3A_53 {strides = array<i32>} : memref<80xf32, #tpu.memory_space<vmem>>, vector<16xf32>,
    %swap3A_58 = arith.constant 16 : index
    %swap3A_59 = tpu.vector_load %arg14[%swap3A_58] {strides = array<i32>} : memref<80xi32, #tpu.memory_space<vmem>>, vector<16xi32>,
    tpu.vector_store %arg14[%swap3A_58], %scan3A_9#5 {strides = array<i32>} : memref<80xi32, #tpu.memory_space<vmem>>, vector<16xi32>,
    %swap3A_60 = arith.constant 16 : index
    %swap3A_61 = tpu.vector_load %arg15[%swap3A_60] {strides = array<i32>} : memref<80xi32, #tpu.memory_space<vmem>>, vector<16xi32>,
    tpu.vector_store %arg15[%swap3A_60], %scan3A_9#7 {strides = array<i32>} : memref<80xi32, #tpu.memory_space<vmem>>, vector<16xi32>,
    %add3A_62 = arith.constant 16 : i32
    %add3A_63 = arith.addi %mul3A_2, %add3A_62 : i32
    %add3A_64 = vector.broadcast %add3A_63 : i32 to vector<16xi32>
    %add3A_65 = arith.addi %add3A_64, %iota3A : vector<16xi32>
    %mul3A_66 = arith.constant 16 : i32
    %mul3A_67 = vector.broadcast %mul3A_66 : i32 to vector<16xi32>
    %mul3A_68 = arith.muli %add3A_65, %mul3A_67 : vector<16xi32>
    %shift_right_arithmetic3A_69 = arith.constant 2 : i32
    %shift_right_arithmetic3A_70 = vector.broadcast %shift_right_arithmetic3A_69 : i32 to vector<16xi32>
    %shift_right_arithmetic3A_71 = arith.shrsi %scan3A_9#5, %shift_right_arithmetic3A_70 : vector<16xi32>
    %add3A_72 = arith.addi %mul3A_68, %shift_right_arithmetic3A_71 : vector<16xi32>
    %swap3A_73 = arith.constant 16 : index
    %swap3A_74 = tpu.vector_load %arg10[%swap3A_73] {strides = array<i32>} : memref<128xi32, #tpu.memory_space<vmem>>, vector<16xi32>,
    tpu.vector_store %arg10[%swap3A_73], %add3A_72 {strides = array<i32>} : memref<128xi32, #tpu.memory_space<vmem>>, vector<16xi32>,
    %mul3A_75 = arith.constant 16 : i32
    %mul3A_76 = vector.broadcast %mul3A_75 : i32 to vector<16xi32>
    %mul3A_77 = arith.muli %add3A_65, %mul3A_76 : vector<16xi32>
    %shift_right_arithmetic3A_78 = arith.constant 2 : i32
    %shift_right_arithmetic3A_79 = vector.broadcast %shift_right_arithmetic3A_78 : i32 to vector<16xi32>
    %shift_right_arithmetic3A_80 = arith.shrsi %scan3A_9#7, %shift_right_arithmetic3A_79 : vector<16xi32>
    %add3A_81 = arith.addi %mul3A_77, %shift_right_arithmetic3A_80 : vector<16xi32>
    %swap3A_82 = arith.constant 80 : index
    %swap3A_83 = tpu.vector_load %arg10[%swap3A_82] {strides = array<i32>} : memref<128xi32, #tpu.memory_space<vmem>>, vector<16xi32>,
    tpu.vector_store %arg10[%swap3A_82], %add3A_81 {strides = array<i32>} : memref<128xi32, #tpu.memory_space<vmem>>, vector<16xi32>,
    %sub3A_84 = arith.subf %scan3A_9#10, %scan3A_9#8 : vector<16xf32>
    %exp3A_85 = math.exp %sub3A_84 : vector<16xf32>
    %add3A_86 = arith.constant 1.000000e+00 : f32
    %add3A_87 = vector.broadcast %add3A_86 : f32 to vector<16xf32>
    %add3A_88 = arith.addf %add3A_87, %exp3A_85 : vector<16xf32>
    %div3A_89 = arith.constant 1.000000e+00 : f32
    %div3A_90 = vector.broadcast %div3A_89 : f32 to vector<16xf32>
    %div3A_91 = arith.divf %div3A_90, %add3A_88 : vector<16xf32>
    %mul3A_92 = arith.mulf %exp3A_85, %div3A_91 : vector<16xf32>
    %swap3A_93 = arith.constant 32 : index
    %swap3A_94 = tpu.vector_load %arg12[%swap3A_93] {strides = array<i32>} : memref<80xf32, #tpu.memory_space<vmem>>, vector<16xf32>,
    tpu.vector_store %arg12[%swap3A_93], %div3A_91 {strides = array<i32>} : memref<80xf32, #tpu.memory_space<vmem>>, vector<16xf32>,
    %swap3A_95 = arith.constant 32 : index
    %swap3A_96 = tpu.vector_load %arg13[%swap3A_95] {strides = array<i32>} : memref<80xf32, #tpu.memory_space<vmem>>, vector<16xf32>,
    tpu.vector_store %arg13[%swap3A_95], %mul3A_92 {strides = array<i32>} : memref<80xf32, #tpu.memory_space<vmem>>, vector<16xf32>,
    %swap3A_97 = arith.constant 32 : index
    %swap3A_98 = tpu.vector_load %arg14[%swap3A_97] {strides = array<i32>} : memref<80xi32, #tpu.memory_space<vmem>>, vector<16xi32>,
    tpu.vector_store %arg14[%swap3A_97], %scan3A_9#9 {strides = array<i32>} : memref<80xi32, #tpu.memory_space<vmem>>, vector<16xi32>,
    %swap3A_99 = arith.constant 32 : index
    %swap3A_100 = tpu.vector_load %arg15[%swap3A_99] {strides = array<i32>} : memref<80xi32, #tpu.memory_space<vmem>>, vector<16xi32>,
    tpu.vector_store %arg15[%swap3A_99], %scan3A_9#11 {strides = array<i32>} : memref<80xi32, #tpu.memory_space<vmem>>, vector<16xi32>,
    %add3A_101 = arith.constant 32 : i32
    %add3A_102 = arith.addi %mul3A_2, %add3A_101 : i32
    %add3A_103 = vector.broadcast %add3A_102 : i32 to vector<16xi32>
    %add3A_104 = arith.addi %add3A_103, %iota3A : vector<16xi32>
    %mul3A_105 = arith.constant 16 : i32
    %mul3A_106 = vector.broadcast %mul3A_105 : i32 to vector<16xi32>
    %mul3A_107 = arith.muli %add3A_104, %mul3A_106 : vector<16xi32>
    %shift_right_arithmetic3A_108 = arith.constant 2 : i32
    %shift_right_arithmetic3A_109 = vector.broadcast %shift_right_arithmetic3A_108 : i32 to vector<16xi32>
    %shift_right_arithmetic3A_110 = arith.shrsi %scan3A_9#9, %shift_right_arithmetic3A_109 : vector<16xi32>
    %add3A_111 = arith.addi %mul3A_107, %shift_right_arithmetic3A_110 : vector<16xi32>
    %swap3A_112 = arith.constant 32 : index
    %swap3A_113 = tpu.vector_load %arg10[%swap3A_112] {strides = array<i32>} : memref<128xi32, #tpu.memory_space<vmem>>, vector<16xi32>,
    tpu.vector_store %arg10[%swap3A_112], %add3A_111 {strides = array<i32>} : memref<128xi32, #tpu.memory_space<vmem>>, vector<16xi32>,
    %mul3A_114 = arith.constant 16 : i32
    %mul3A_115 = vector.broadcast %mul3A_114 : i32 to vector<16xi32>
    %mul3A_116 = arith.muli %add3A_104, %mul3A_115 : vector<16xi32>
    %shift_right_arithmetic3A_117 = arith.constant 2 : i32
    %shift_right_arithmetic3A_118 = vector.broadcast %shift_right_arithmetic3A_117 : i32 to vector<16xi32>
    %shift_right_arithmetic3A_119 = arith.shrsi %scan3A_9#11, %shift_right_arithmetic3A_118 : vector<16xi32>
    %add3A_120 = arith.addi %mul3A_116, %shift_right_arithmetic3A_119 : vector<16xi32>
    %swap3A_121 = arith.constant 96 : index
    %swap3A_122 = tpu.vector_load %arg10[%swap3A_121] {strides = array<i32>} : memref<128xi32, #tpu.memory_space<vmem>>, vector<16xi32>,
    tpu.vector_store %arg10[%swap3A_121], %add3A_120 {strides = array<i32>} : memref<128xi32, #tpu.memory_space<vmem>>, vector<16xi32>,
    %sub3A_123 = arith.subf %scan3A_9#14, %scan3A_9#12 : vector<16xf32>
    %exp3A_124 = math.exp %sub3A_123 : vector<16xf32>
    %add3A_125 = arith.constant 1.000000e+00 : f32
    %add3A_126 = vector.broadcast %add3A_125 : f32 to vector<16xf32>
    %add3A_127 = arith.addf %add3A_126, %exp3A_124 : vector<16xf32>
    %div3A_128 = arith.constant 1.000000e+00 : f32
    %div3A_129 = vector.broadcast %div3A_128 : f32 to vector<16xf32>
    %div3A_130 = arith.divf %div3A_129, %add3A_127 : vector<16xf32>
    %mul3A_131 = arith.mulf %exp3A_124, %div3A_130 : vector<16xf32>
    %swap3A_132 = arith.constant 48 : index
    %swap3A_133 = tpu.vector_load %arg12[%swap3A_132] {strides = array<i32>} : memref<80xf32, #tpu.memory_space<vmem>>, vector<16xf32>,
    tpu.vector_store %arg12[%swap3A_132], %div3A_130 {strides = array<i32>} : memref<80xf32, #tpu.memory_space<vmem>>, vector<16xf32>,
    %swap3A_134 = arith.constant 48 : index
    %swap3A_135 = tpu.vector_load %arg13[%swap3A_134] {strides = array<i32>} : memref<80xf32, #tpu.memory_space<vmem>>, vector<16xf32>,
    tpu.vector_store %arg13[%swap3A_134], %mul3A_131 {strides = array<i32>} : memref<80xf32, #tpu.memory_space<vmem>>, vector<16xf32>,
    %swap3A_136 = arith.constant 48 : index
    %swap3A_137 = tpu.vector_load %arg14[%swap3A_136] {strides = array<i32>} : memref<80xi32, #tpu.memory_space<vmem>>, vector<16xi32>,
    tpu.vector_store %arg14[%swap3A_136], %scan3A_9#13 {strides = array<i32>} : memref<80xi32, #tpu.memory_space<vmem>>, vector<16xi32>,
    %swap3A_138 = arith.constant 48 : index
    %swap3A_139 = tpu.vector_load %arg15[%swap3A_138] {strides = array<i32>} : memref<80xi32, #tpu.memory_space<vmem>>, vector<16xi32>,
    tpu.vector_store %arg15[%swap3A_138], %scan3A_9#15 {strides = array<i32>} : memref<80xi32, #tpu.memory_space<vmem>>, vector<16xi32>,
    %add3A_140 = arith.constant 48 : i32
    %add3A_141 = arith.addi %mul3A_2, %add3A_140 : i32
    %add3A_142 = vector.broadcast %add3A_141 : i32 to vector<16xi32>
    %add3A_143 = arith.addi %add3A_142, %iota3A : vector<16xi32>
    %mul3A_144 = arith.constant 16 : i32
    %mul3A_145 = vector.broadcast %mul3A_144 : i32 to vector<16xi32>
    %mul3A_146 = arith.muli %add3A_143, %mul3A_145 : vector<16xi32>
    %shift_right_arithmetic3A_147 = arith.constant 2 : i32
    %shift_right_arithmetic3A_148 = vector.broadcast %shift_right_arithmetic3A_147 : i32 to vector<16xi32>
    %shift_right_arithmetic3A_149 = arith.shrsi %scan3A_9#13, %shift_right_arithmetic3A_148 : vector<16xi32>
    %add3A_150 = arith.addi %mul3A_146, %shift_right_arithmetic3A_149 : vector<16xi32>
    %swap3A_151 = arith.constant 48 : index
    %swap3A_152 = tpu.vector_load %arg10[%swap3A_151] {strides = array<i32>} : memref<128xi32, #tpu.memory_space<vmem>>, vector<16xi32>,
    tpu.vector_store %arg10[%swap3A_151], %add3A_150 {strides = array<i32>} : memref<128xi32, #tpu.memory_space<vmem>>, vector<16xi32>,
    %mul3A_153 = arith.constant 16 : i32
    %mul3A_154 = vector.broadcast %mul3A_153 : i32 to vector<16xi32>
    %mul3A_155 = arith.muli %add3A_143, %mul3A_154 : vector<16xi32>
    %shift_right_arithmetic3A_156 = arith.constant 2 : i32
    %shift_right_arithmetic3A_157 = vector.broadcast %shift_right_arithmetic3A_156 : i32 to vector<16xi32>
    %shift_right_arithmetic3A_158 = arith.shrsi %scan3A_9#15, %shift_right_arithmetic3A_157 : vector<16xi32>
    %add3A_159 = arith.addi %mul3A_155, %shift_right_arithmetic3A_158 : vector<16xi32>
    %swap3A_160 = arith.constant 112 : index
    %swap3A_161 = tpu.vector_load %arg10[%swap3A_160] {strides = array<i32>} : memref<128xi32, #tpu.memory_space<vmem>>, vector<16xi32>,
    tpu.vector_store %arg10[%swap3A_160], %add3A_159 {strides = array<i32>} : memref<128xi32, #tpu.memory_space<vmem>>, vector<16xi32>,
    %dma_start3A = arith.constant 0 : i32
    %dma_start3A_162 = arith.constant 0 : i32
    %dma_start3A_163 = tpu.memref_slice %arg3[%dma_start3A, %dma_start3A_162] : memref<32768x128xf32, #tpu.memory_space<hbm>> -> memref<32768x128xf32, #tpu.memory_space<hbm>>
    tpu.enqueue_indirect_dma source(%dma_start3A_163 : memref<32768x128xf32, #tpu.memory_space<hbm>>) target(%arg11 : memref<128x128xf32, #tpu.memory_space<vmem>>) offsets(%arg10 : memref<128xi32, #tpu.memory_space<vmem>>) semaphore(%arg17 : memref<!tpu.dma_semaphore, #tpu.memory_space<semaphore_mem>>)
    %dma_wait3A = arith.constant 0 : i32
    %dma_wait3A_164 = arith.constant 0 : i32
    %dma_wait3A_165 = tpu.memref_slice %arg3[%dma_wait3A, %dma_wait3A_164] : memref<32768x128xf32, #tpu.memory_space<hbm>> -> memref<32768x128xf32, #tpu.memory_space<hbm>>
    tpu.wait_indirect_dma semaphore(%arg17 : memref<!tpu.dma_semaphore, #tpu.memory_space<semaphore_mem>>) src(%dma_wait3A_165 : memref<32768x128xf32, #tpu.memory_space<hbm>>) dst(%arg11 : memref<128x128xf32, #tpu.memory_space<vmem>>)
    %scan3A_166 = arith.constant 0 : i32
    %scan3A_167 = arith.constant 0 : i32
    %scan3A_168 = arith.constant 16 : i32
    %scan3A_169 = arith.addi %scan3A_167, %scan3A_168 : i32
    %scan3A_170 = arith.constant 1 : i32
    %scan3A_171 = scf.for %scan3A_229 = %scan3A_167 to %scan3A_169 step %scan3A_170 iter_args(%scan3A_230 = %scan3A_166) -> (i32)  : i32 {
      %add3A_231 = arith.constant 0 : i32
      %add3A_232 = arith.addi %add3A_231, %scan3A_229 : i32
      %get3A = arith.index_cast %add3A_232 : i32 to index
      %get3A_233 = tpu.vector_load %arg12[%get3A] {strides = array<i32>} : memref<80xf32, #tpu.memory_space<vmem>>, vector<16xf32>,
      %slice3A = vector.extract_strided_slice %get3A_233 {offsets = [0], sizes = [1], strides = [1]} : vector<16xf32> to vector<1xf32>
      %squeeze3A = vector.extract %slice3A[0] : f32 from vector<1xf32>
      %get3A_234 = arith.index_cast %add3A_232 : i32 to index
      %get3A_235 = tpu.vector_load %arg13[%get3A_234] {strides = array<i32>} : memref<80xf32, #tpu.memory_space<vmem>>, vector<16xf32>,
      %slice3A_236 = vector.extract_strided_slice %get3A_235 {offsets = [0], sizes = [1], strides = [1]} : vector<16xf32> to vector<1xf32>
      %squeeze3A_237 = vector.extract %slice3A_236[0] : f32 from vector<1xf32>
      %get3A_238 = arith.index_cast %add3A_232 : i32 to index
      %get3A_239 = tpu.vector_load %arg14[%get3A_238] {strides = array<i32>} : memref<80xi32, #tpu.memory_space<vmem>>, vector<16xi32>,
      %slice3A_240 = vector.extract_strided_slice %get3A_239 {offsets = [0], sizes = [1], strides = [1]} : vector<16xi32> to vector<1xi32>
      %squeeze3A_241 = vector.extract %slice3A_240[0] : i32 from vector<1xi32>
      %and3A = arith.constant 3 : i32
      %and3A_242 = arith.andi %squeeze3A_241, %and3A : i32
      %mul3A_243 = arith.constant 32 : i32
      %mul3A_244 = arith.muli %and3A_242, %mul3A_243 : i32
      %get3A_245 = arith.index_cast %add3A_232 : i32 to index
      %get3A_246 = tpu.vector_load %arg15[%get3A_245] {strides = array<i32>} : memref<80xi32, #tpu.memory_space<vmem>>, vector<16xi32>,
      %slice3A_247 = vector.extract_strided_slice %get3A_246 {offsets = [0], sizes = [1], strides = [1]} : vector<16xi32> to vector<1xi32>
      %squeeze3A_248 = vector.extract %slice3A_247[0] : i32 from vector<1xi32>
      %and3A_249 = arith.constant 3 : i32
      %and3A_250 = arith.andi %squeeze3A_248, %and3A_249 : i32
      %mul3A_251 = arith.constant 32 : i32
      %mul3A_252 = arith.muli %and3A_250, %mul3A_251 : i32
      %add3A_253 = arith.constant 0 : i32
      %add3A_254 = arith.addi %mul3A_244, %add3A_253 : i32
      %get3A_255 = arith.index_cast %add3A_232 : i32 to index
      %get3A_256 = arith.index_cast %add3A_254 : i32 to index
      %get3A_257 = tpu.vector_load %arg11[%get3A_255, %get3A_256] {strides = array<i32>} : memref<128x128xf32, #tpu.memory_space<vmem>>, vector<16xf32>,
      %mul3A_258 = vector.broadcast %squeeze3A : f32 to vector<16xf32>
      %mul3A_259 = arith.mulf %mul3A_258, %get3A_257 : vector<16xf32>
      %add3A_260 = arith.constant 64 : i32
      %add3A_261 = arith.addi %add3A_260, %add3A_232 : i32
      %add3A_262 = arith.constant 0 : i32
      %add3A_263 = arith.addi %mul3A_252, %add3A_262 : i32
      %get3A_264 = arith.index_cast %add3A_261 : i32 to index
      %get3A_265 = arith.index_cast %add3A_263 : i32 to index
      %get3A_266 = tpu.vector_load %arg11[%get3A_264, %get3A_265] {strides = array<i32>} : memref<128x128xf32, #tpu.memory_space<vmem>>, vector<16xf32>,
      %mul3A_267 = vector.broadcast %squeeze3A_237 : f32 to vector<16xf32>
      %mul3A_268 = arith.mulf %mul3A_267, %get3A_266 : vector<16xf32>
      %add3A_269 = arith.addf %mul3A_259, %mul3A_268 : vector<16xf32>
      %swap3A_270 = arith.index_cast %add3A_232 : i32 to index
      %swap3A_271 = arith.constant 0 : index
      %swap3A_272 = tpu.vector_load %arg16[%swap3A_270, %swap3A_271] {strides = array<i32>} : memref<64x32xf32, #tpu.memory_space<vmem>>, vector<16xf32>,
      tpu.vector_store %arg16[%swap3A_270, %swap3A_271], %add3A_269 {strides = array<i32>} : memref<64x32xf32, #tpu.memory_space<vmem>>, vector<16xf32>,
      %add3A_273 = arith.constant 16 : i32
      %add3A_274 = arith.addi %mul3A_244, %add3A_273 : i32
      %get3A_275 = arith.index_cast %add3A_232 : i32 to index
      %get3A_276 = arith.index_cast %add3A_274 : i32 to index
      %get3A_277 = tpu.vector_load %arg11[%get3A_275, %get3A_276] {strides = array<i32>} : memref<128x128xf32, #tpu.memory_space<vmem>>, vector<16xf32>,
      %mul3A_278 = vector.broadcast %squeeze3A : f32 to vector<16xf32>
      %mul3A_279 = arith.mulf %mul3A_278, %get3A_277 : vector<16xf32>
      %add3A_280 = arith.constant 64 : i32
      %add3A_281 = arith.addi %add3A_280, %add3A_232 : i32
      %add3A_282 = arith.constant 16 : i32
      %add3A_283 = arith.addi %mul3A_252, %add3A_282 : i32
      %get3A_284 = arith.index_cast %add3A_281 : i32 to index
      %get3A_285 = arith.index_cast %add3A_283 : i32 to index
      %get3A_286 = tpu.vector_load %arg11[%get3A_284, %get3A_285] {strides = array<i32>} : memref<128x128xf32, #tpu.memory_space<vmem>>, vector<16xf32>,
      %mul3A_287 = vector.broadcast %squeeze3A_237 : f32 to vector<16xf32>
      %mul3A_288 = arith.mulf %mul3A_287, %get3A_286 : vector<16xf32>
      %add3A_289 = arith.addf %mul3A_279, %mul3A_288 : vector<16xf32>
      %swap3A_290 = arith.index_cast %add3A_232 : i32 to index
      %swap3A_291 = arith.constant 16 : index
      %swap3A_292 = tpu.vector_load %arg16[%swap3A_290, %swap3A_291] {strides = array<i32>} : memref<64x32xf32, #tpu.memory_space<vmem>>, vector<16xf32>,
      tpu.vector_store %arg16[%swap3A_290, %swap3A_291], %add3A_289 {strides = array<i32>} : memref<64x32xf32, #tpu.memory_space<vmem>>, vector<16xf32>,
      %add3A_293 = arith.constant 16 : i32
      %add3A_294 = arith.addi %add3A_293, %scan3A_229 : i32
      %get3A_295 = arith.index_cast %add3A_294 : i32 to index
      %get3A_296 = tpu.vector_load %arg12[%get3A_295] {strides = array<i32>} : memref<80xf32, #tpu.memory_space<vmem>>, vector<16xf32>,
      %slice3A_297 = vector.extract_strided_slice %get3A_296 {offsets = [0], sizes = [1], strides = [1]} : vector<16xf32> to vector<1xf32>
      %squeeze3A_298 = vector.extract %slice3A_297[0] : f32 from vector<1xf32>
      %get3A_299 = arith.index_cast %add3A_294 : i32 to index
      %get3A_300 = tpu.vector_load %arg13[%get3A_299] {strides = array<i32>} : memref<80xf32, #tpu.memory_space<vmem>>, vector<16xf32>,
      %slice3A_301 = vector.extract_strided_slice %get3A_300 {offsets = [0], sizes = [1], strides = [1]} : vector<16xf32> to vector<1xf32>
      %squeeze3A_302 = vector.extract %slice3A_301[0] : f32 from vector<1xf32>
      %get3A_303 = arith.index_cast %add3A_294 : i32 to index
      %get3A_304 = tpu.vector_load %arg14[%get3A_303] {strides = array<i32>} : memref<80xi32, #tpu.memory_space<vmem>>, vector<16xi32>,
      %slice3A_305 = vector.extract_strided_slice %get3A_304 {offsets = [0], sizes = [1], strides = [1]} : vector<16xi32> to vector<1xi32>
      %squeeze3A_306 = vector.extract %slice3A_305[0] : i32 from vector<1xi32>
      %and3A_307 = arith.constant 3 : i32
      %and3A_308 = arith.andi %squeeze3A_306, %and3A_307 : i32
      %mul3A_309 = arith.constant 32 : i32
      %mul3A_310 = arith.muli %and3A_308, %mul3A_309 : i32
      %get3A_311 = arith.index_cast %add3A_294 : i32 to index
      %get3A_312 = tpu.vector_load %arg15[%get3A_311] {strides = array<i32>} : memref<80xi32, #tpu.memory_space<vmem>>, vector<16xi32>,
      %slice3A_313 = vector.extract_strided_slice %get3A_312 {offsets = [0], sizes = [1], strides = [1]} : vector<16xi32> to vector<1xi32>
      %squeeze3A_314 = vector.extract %slice3A_313[0] : i32 from vector<1xi32>
      %and3A_315 = arith.constant 3 : i32
      %and3A_316 = arith.andi %squeeze3A_314, %and3A_315 : i32
      %mul3A_317 = arith.constant 32 : i32
      %mul3A_318 = arith.muli %and3A_316, %mul3A_317 : i32
      %add3A_319 = arith.constant 0 : i32
      %add3A_320 = arith.addi %mul3A_310, %add3A_319 : i32
      %get3A_321 = arith.index_cast %add3A_294 : i32 to index
      %get3A_322 = arith.index_cast %add3A_320 : i32 to index
      %get3A_323 = tpu.vector_load %arg11[%get3A_321, %get3A_322] {strides = array<i32>} : memref<128x128xf32, #tpu.memory_space<vmem>>, vector<16xf32>,
      %mul3A_324 = vector.broadcast %squeeze3A_298 : f32 to vector<16xf32>
      %mul3A_325 = arith.mulf %mul3A_324, %get3A_323 : vector<16xf32>
      %add3A_326 = arith.constant 64 : i32
      %add3A_327 = arith.addi %add3A_326, %add3A_294 : i32
      %add3A_328 = arith.constant 0 : i32
      %add3A_329 = arith.addi %mul3A_318, %add3A_328 : i32
      %get3A_330 = arith.index_cast %add3A_327 : i32 to index
      %get3A_331 = arith.index_cast %add3A_329 : i32 to index
      %get3A_332 = tpu.vector_load %arg11[%get3A_330, %get3A_331] {strides = array<i32>} : memref<128x128xf32, #tpu.memory_space<vmem>>, vector<16xf32>,
      %mul3A_333 = vector.broadcast %squeeze3A_302 : f32 to vector<16xf32>
      %mul3A_334 = arith.mulf %mul3A_333, %get3A_332 : vector<16xf32>
      %add3A_335 = arith.addf %mul3A_325, %mul3A_334 : vector<16xf32>
      %swap3A_336 = arith.index_cast %add3A_294 : i32 to index
      %swap3A_337 = arith.constant 0 : index
      %swap3A_338 = tpu.vector_load %arg16[%swap3A_336, %swap3A_337] {strides = array<i32>} : memref<64x32xf32, #tpu.memory_space<vmem>>, vector<16xf32>,
      tpu.vector_store %arg16[%swap3A_336, %swap3A_337], %add3A_335 {strides = array<i32>} : memref<64x32xf32, #tpu.memory_space<vmem>>, vector<16xf32>,
      %add3A_339 = arith.constant 16 : i32
      %add3A_340 = arith.addi %mul3A_310, %add3A_339 : i32
      %get3A_341 = arith.index_cast %add3A_294 : i32 to index
      %get3A_342 = arith.index_cast %add3A_340 : i32 to index
      %get3A_343 = tpu.vector_load %arg11[%get3A_341, %get3A_342] {strides = array<i32>} : memref<128x128xf32, #tpu.memory_space<vmem>>, vector<16xf32>,
      %mul3A_344 = vector.broadcast %squeeze3A_298 : f32 to vector<16xf32>
      %mul3A_345 = arith.mulf %mul3A_344, %get3A_343 : vector<16xf32>
      %add3A_346 = arith.constant 64 : i32
      %add3A_347 = arith.addi %add3A_346, %add3A_294 : i32
      %add3A_348 = arith.constant 16 : i32
      %add3A_349 = arith.addi %mul3A_318, %add3A_348 : i32
      %get3A_350 = arith.index_cast %add3A_347 : i32 to index
      %get3A_351 = arith.index_cast %add3A_349 : i32 to index
      %get3A_352 = tpu.vector_load %arg11[%get3A_350, %get3A_351] {strides = array<i32>} : memref<128x128xf32, #tpu.memory_space<vmem>>, vector<16xf32>,
      %mul3A_353 = vector.broadcast %squeeze3A_302 : f32 to vector<16xf32>
      %mul3A_354 = arith.mulf %mul3A_353, %get3A_352 : vector<16xf32>
      %add3A_355 = arith.addf %mul3A_345, %mul3A_354 : vector<16xf32>
      %swap3A_356 = arith.index_cast %add3A_294 : i32 to index
      %swap3A_357 = arith.constant 16 : index
      %swap3A_358 = tpu.vector_load %arg16[%swap3A_356, %swap3A_357] {strides = array<i32>} : memref<64x32xf32, #tpu.memory_space<vmem>>, vector<16xf32>,
      tpu.vector_store %arg16[%swap3A_356, %swap3A_357], %add3A_355 {strides = array<i32>} : memref<64x32xf32, #tpu.memory_space<vmem>>, vector<16xf32>,
      %add3A_359 = arith.constant 32 : i32
      %add3A_360 = arith.addi %add3A_359, %scan3A_229 : i32
      %get3A_361 = arith.index_cast %add3A_360 : i32 to index
      %get3A_362 = tpu.vector_load %arg12[%get3A_361] {strides = array<i32>} : memref<80xf32, #tpu.memory_space<vmem>>, vector<16xf32>,
      %slice3A_363 = vector.extract_strided_slice %get3A_362 {offsets = [0], sizes = [1], strides = [1]} : vector<16xf32> to vector<1xf32>
      %squeeze3A_364 = vector.extract %slice3A_363[0] : f32 from vector<1xf32>
      %get3A_365 = arith.index_cast %add3A_360 : i32 to index
      %get3A_366 = tpu.vector_load %arg13[%get3A_365] {strides = array<i32>} : memref<80xf32, #tpu.memory_space<vmem>>, vector<16xf32>,
      %slice3A_367 = vector.extract_strided_slice %get3A_366 {offsets = [0], sizes = [1], strides = [1]} : vector<16xf32> to vector<1xf32>
      %squeeze3A_368 = vector.extract %slice3A_367[0] : f32 from vector<1xf32>
      %get3A_369 = arith.index_cast %add3A_360 : i32 to index
      %get3A_370 = tpu.vector_load %arg14[%get3A_369] {strides = array<i32>} : memref<80xi32, #tpu.memory_space<vmem>>, vector<16xi32>,
      %slice3A_371 = vector.extract_strided_slice %get3A_370 {offsets = [0], sizes = [1], strides = [1]} : vector<16xi32> to vector<1xi32>
      %squeeze3A_372 = vector.extract %slice3A_371[0] : i32 from vector<1xi32>
      %and3A_373 = arith.constant 3 : i32
      %and3A_374 = arith.andi %squeeze3A_372, %and3A_373 : i32
      %mul3A_375 = arith.constant 32 : i32
      %mul3A_376 = arith.muli %and3A_374, %mul3A_375 : i32
      %get3A_377 = arith.index_cast %add3A_360 : i32 to index
      %get3A_378 = tpu.vector_load %arg15[%get3A_377] {strides = array<i32>} : memref<80xi32, #tpu.memory_space<vmem>>, vector<16xi32>,
      %slice3A_379 = vector.extract_strided_slice %get3A_378 {offsets = [0], sizes = [1], strides = [1]} : vector<16xi32> to vector<1xi32>
      %squeeze3A_380 = vector.extract %slice3A_379[0] : i32 from vector<1xi32>
      %and3A_381 = arith.constant 3 : i32
      %and3A_382 = arith.andi %squeeze3A_380, %and3A_381 : i32
      %mul3A_383 = arith.constant 32 : i32
      %mul3A_384 = arith.muli %and3A_382, %mul3A_383 : i32
      %add3A_385 = arith.constant 0 : i32
      %add3A_386 = arith.addi %mul3A_376, %add3A_385 : i32
      %get3A_387 = arith.index_cast %add3A_360 : i32 to index
      %get3A_388 = arith.index_cast %add3A_386 : i32 to index
      %get3A_389 = tpu.vector_load %arg11[%get3A_387, %get3A_388] {strides = array<i32>} : memref<128x128xf32, #tpu.memory_space<vmem>>, vector<16xf32>,
      %mul3A_390 = vector.broadcast %squeeze3A_364 : f32 to vector<16xf32>
      %mul3A_391 = arith.mulf %mul3A_390, %get3A_389 : vector<16xf32>
      %add3A_392 = arith.constant 64 : i32
      %add3A_393 = arith.addi %add3A_392, %add3A_360 : i32
      %add3A_394 = arith.constant 0 : i32
      %add3A_395 = arith.addi %mul3A_384, %add3A_394 : i32
      %get3A_396 = arith.index_cast %add3A_393 : i32 to index
      %get3A_397 = arith.index_cast %add3A_395 : i32 to index
      %get3A_398 = tpu.vector_load %arg11[%get3A_396, %get3A_397] {strides = array<i32>} : memref<128x128xf32, #tpu.memory_space<vmem>>, vector<16xf32>,
      %mul3A_399 = vector.broadcast %squeeze3A_368 : f32 to vector<16xf32>
      %mul3A_400 = arith.mulf %mul3A_399, %get3A_398 : vector<16xf32>
      %add3A_401 = arith.addf %mul3A_391, %mul3A_400 : vector<16xf32>
      %swap3A_402 = arith.index_cast %add3A_360 : i32 to index
      %swap3A_403 = arith.constant 0 : index
      %swap3A_404 = tpu.vector_load %arg16[%swap3A_402, %swap3A_403] {strides = array<i32>} : memref<64x32xf32, #tpu.memory_space<vmem>>, vector<16xf32>,
      tpu.vector_store %arg16[%swap3A_402, %swap3A_403], %add3A_401 {strides = array<i32>} : memref<64x32xf32, #tpu.memory_space<vmem>>, vector<16xf32>,
      %add3A_405 = arith.constant 16 : i32
      %add3A_406 = arith.addi %mul3A_376, %add3A_405 : i32
      %get3A_407 = arith.index_cast %add3A_360 : i32 to index
      %get3A_408 = arith.index_cast %add3A_406 : i32 to index
      %get3A_409 = tpu.vector_load %arg11[%get3A_407, %get3A_408] {strides = array<i32>} : memref<128x128xf32, #tpu.memory_space<vmem>>, vector<16xf32>,
      %mul3A_410 = vector.broadcast %squeeze3A_364 : f32 to vector<16xf32>
      %mul3A_411 = arith.mulf %mul3A_410, %get3A_409 : vector<16xf32>
      %add3A_412 = arith.constant 64 : i32
      %add3A_413 = arith.addi %add3A_412, %add3A_360 : i32
      %add3A_414 = arith.constant 16 : i32
      %add3A_415 = arith.addi %mul3A_384, %add3A_414 : i32
      %get3A_416 = arith.index_cast %add3A_413 : i32 to index
      %get3A_417 = arith.index_cast %add3A_415 : i32 to index
      %get3A_418 = tpu.vector_load %arg11[%get3A_416, %get3A_417] {strides = array<i32>} : memref<128x128xf32, #tpu.memory_space<vmem>>, vector<16xf32>,
      %mul3A_419 = vector.broadcast %squeeze3A_368 : f32 to vector<16xf32>
      %mul3A_420 = arith.mulf %mul3A_419, %get3A_418 : vector<16xf32>
      %add3A_421 = arith.addf %mul3A_411, %mul3A_420 : vector<16xf32>
      %swap3A_422 = arith.index_cast %add3A_360 : i32 to index
      %swap3A_423 = arith.constant 16 : index
      %swap3A_424 = tpu.vector_load %arg16[%swap3A_422, %swap3A_423] {strides = array<i32>} : memref<64x32xf32, #tpu.memory_space<vmem>>, vector<16xf32>,
      tpu.vector_store %arg16[%swap3A_422, %swap3A_423], %add3A_421 {strides = array<i32>} : memref<64x32xf32, #tpu.memory_space<vmem>>, vector<16xf32>,
      %add3A_425 = arith.constant 48 : i32
      %add3A_426 = arith.addi %add3A_425, %scan3A_229 : i32
      %get3A_427 = arith.index_cast %add3A_426 : i32 to index
      %get3A_428 = tpu.vector_load %arg12[%get3A_427] {strides = array<i32>} : memref<80xf32, #tpu.memory_space<vmem>>, vector<16xf32>,
      %slice3A_429 = vector.extract_strided_slice %get3A_428 {offsets = [0], sizes = [1], strides = [1]} : vector<16xf32> to vector<1xf32>
      %squeeze3A_430 = vector.extract %slice3A_429[0] : f32 from vector<1xf32>
      %get3A_431 = arith.index_cast %add3A_426 : i32 to index
      %get3A_432 = tpu.vector_load %arg13[%get3A_431] {strides = array<i32>} : memref<80xf32, #tpu.memory_space<vmem>>, vector<16xf32>,
      %slice3A_433 = vector.extract_strided_slice %get3A_432 {offsets = [0], sizes = [1], strides = [1]} : vector<16xf32> to vector<1xf32>
      %squeeze3A_434 = vector.extract %slice3A_433[0] : f32 from vector<1xf32>
      %get3A_435 = arith.index_cast %add3A_426 : i32 to index
      %get3A_436 = tpu.vector_load %arg14[%get3A_435] {strides = array<i32>} : memref<80xi32, #tpu.memory_space<vmem>>, vector<16xi32>,
      %slice3A_437 = vector.extract_strided_slice %get3A_436 {offsets = [0], sizes = [1], strides = [1]} : vector<16xi32> to vector<1xi32>
      %squeeze3A_438 = vector.extract %slice3A_437[0] : i32 from vector<1xi32>
      %and3A_439 = arith.constant 3 : i32
      %and3A_440 = arith.andi %squeeze3A_438, %and3A_439 : i32
      %mul3A_441 = arith.constant 32 : i32
      %mul3A_442 = arith.muli %and3A_440, %mul3A_441 : i32
      %get3A_443 = arith.index_cast %add3A_426 : i32 to index
      %get3A_444 = tpu.vector_load %arg15[%get3A_443] {strides = array<i32>} : memref<80xi32, #tpu.memory_space<vmem>>, vector<16xi32>,
      %slice3A_445 = vector.extract_strided_slice %get3A_444 {offsets = [0], sizes = [1], strides = [1]} : vector<16xi32> to vector<1xi32>
      %squeeze3A_446 = vector.extract %slice3A_445[0] : i32 from vector<1xi32>
      %and3A_447 = arith.constant 3 : i32
      %and3A_448 = arith.andi %squeeze3A_446, %and3A_447 : i32
      %mul3A_449 = arith.constant 32 : i32
      %mul3A_450 = arith.muli %and3A_448, %mul3A_449 : i32
      %add3A_451 = arith.constant 0 : i32
      %add3A_452 = arith.addi %mul3A_442, %add3A_451 : i32
      %get3A_453 = arith.index_cast %add3A_426 : i32 to index
      %get3A_454 = arith.index_cast %add3A_452 : i32 to index
      %get3A_455 = tpu.vector_load %arg11[%get3A_453, %get3A_454] {strides = array<i32>} : memref<128x128xf32, #tpu.memory_space<vmem>>, vector<16xf32>,
      %mul3A_456 = vector.broadcast %squeeze3A_430 : f32 to vector<16xf32>
      %mul3A_457 = arith.mulf %mul3A_456, %get3A_455 : vector<16xf32>
      %add3A_458 = arith.constant 64 : i32
      %add3A_459 = arith.addi %add3A_458, %add3A_426 : i32
      %add3A_460 = arith.constant 0 : i32
      %add3A_461 = arith.addi %mul3A_450, %add3A_460 : i32
      %get3A_462 = arith.index_cast %add3A_459 : i32 to index
      %get3A_463 = arith.index_cast %add3A_461 : i32 to index
      %get3A_464 = tpu.vector_load %arg11[%get3A_462, %get3A_463] {strides = array<i32>} : memref<128x128xf32, #tpu.memory_space<vmem>>, vector<16xf32>,
      %mul3A_465 = vector.broadcast %squeeze3A_434 : f32 to vector<16xf32>
      %mul3A_466 = arith.mulf %mul3A_465, %get3A_464 : vector<16xf32>
      %add3A_467 = arith.addf %mul3A_457, %mul3A_466 : vector<16xf32>
      %swap3A_468 = arith.index_cast %add3A_426 : i32 to index
      %swap3A_469 = arith.constant 0 : index
      %swap3A_470 = tpu.vector_load %arg16[%swap3A_468, %swap3A_469] {strides = array<i32>} : memref<64x32xf32, #tpu.memory_space<vmem>>, vector<16xf32>,
      tpu.vector_store %arg16[%swap3A_468, %swap3A_469], %add3A_467 {strides = array<i32>} : memref<64x32xf32, #tpu.memory_space<vmem>>, vector<16xf32>,
      %add3A_471 = arith.constant 16 : i32
      %add3A_472 = arith.addi %mul3A_442, %add3A_471 : i32
      %get3A_473 = arith.index_cast %add3A_426 : i32 to index
      %get3A_474 = arith.index_cast %add3A_472 : i32 to index
      %get3A_475 = tpu.vector_load %arg11[%get3A_473, %get3A_474] {strides = array<i32>} : memref<128x128xf32, #tpu.memory_space<vmem>>, vector<16xf32>,
      %mul3A_476 = vector.broadcast %squeeze3A_430 : f32 to vector<16xf32>
      %mul3A_477 = arith.mulf %mul3A_476, %get3A_475 : vector<16xf32>
      %add3A_478 = arith.constant 64 : i32
      %add3A_479 = arith.addi %add3A_478, %add3A_426 : i32
      %add3A_480 = arith.constant 16 : i32
      %add3A_481 = arith.addi %mul3A_450, %add3A_480 : i32
      %get3A_482 = arith.index_cast %add3A_479 : i32 to index
      %get3A_483 = arith.index_cast %add3A_481 : i32 to index
      %get3A_484 = tpu.vector_load %arg11[%get3A_482, %get3A_483] {strides = array<i32>} : memref<128x128xf32, #tpu.memory_space<vmem>>, vector<16xf32>,
      %mul3A_485 = vector.broadcast %squeeze3A_434 : f32 to vector<16xf32>
      %mul3A_486 = arith.mulf %mul3A_485, %get3A_484 : vector<16xf32>
      %add3A_487 = arith.addf %mul3A_477, %mul3A_486 : vector<16xf32>
      %swap3A_488 = arith.index_cast %add3A_426 : i32 to index
      %swap3A_489 = arith.constant 16 : index
      %swap3A_490 = tpu.vector_load %arg16[%swap3A_488, %swap3A_489] {strides = array<i32>} : memref<64x32xf32, #tpu.memory_space<vmem>>, vector<16xf32>,
      tpu.vector_store %arg16[%swap3A_488, %swap3A_489], %add3A_487 {strides = array<i32>} : memref<64x32xf32, #tpu.memory_space<vmem>>, vector<16xf32>,
      %scan3A_491 = arith.constant 0 : i32
      scf.yield %scan3A_491 : i32
    }
    %scan3A_172 = arith.constant 16 : i32
    %dma_start3A_173 = arith.constant 0 : i32
    %dma_start3A_174 = tpu.memref_slice %arg4[%mul3A_2, %dma_start3A_173] : memref<2048x32xf32, #tpu.memory_space<hbm>> -> memref<64x32xf32, #tpu.memory_space<hbm>>
    %dma_start3A_175 = arith.constant 0 : i32
    %dma_start3A_176 = tpu.memref_slice %arg4[%mul3A_2, %dma_start3A_175] : memref<2048x32xf32, #tpu.memory_space<hbm>> -> memref<64x32xf32, #tpu.memory_space<hbm>>
    tpu.enqueue_dma source(%arg16 : memref<64x32xf32, #tpu.memory_space<vmem>>) target(%dma_start3A_176 : memref<64x32xf32, #tpu.memory_space<hbm>>) target_semaphore(%arg17 : memref<!tpu.dma_semaphore, #tpu.memory_space<semaphore_mem>>)
    %dma_start3A_177 = arith.constant 0 : i32
    %dma_start3A_178 = tpu.memref_slice %arg12[%dma_start3A_177] : memref<80xf32, #tpu.memory_space<vmem>> -> memref<64xf32, #tpu.memory_space<vmem>>
    %dma_start3A_179 = tpu.memref_slice %arg5[%mul3A_2] : memref<2048xf32, #tpu.memory_space<hbm>> -> memref<64xf32, #tpu.memory_space<hbm>>
    %dma_start3A_180 = tpu.memref_slice %arg5[%mul3A_2] : memref<2048xf32, #tpu.memory_space<hbm>> -> memref<64xf32, #tpu.memory_space<hbm>>
    %dma_start3A_181 = arith.constant 0 : i32
    %dma_start3A_182 = tpu.memref_slice %arg12[%dma_start3A_181] : memref<80xf32, #tpu.memory_space<vmem>> -> memref<64xf32, #tpu.memory_space<vmem>>
    tpu.enqueue_dma source(%dma_start3A_182 : memref<64xf32, #tpu.memory_space<vmem>>) target(%dma_start3A_180 : memref<64xf32, #tpu.memory_space<hbm>>) target_semaphore(%arg17 : memref<!tpu.dma_semaphore, #tpu.memory_space<semaphore_mem>>)
    %dma_start3A_183 = arith.constant 0 : i32
    %dma_start3A_184 = tpu.memref_slice %arg13[%dma_start3A_183] : memref<80xf32, #tpu.memory_space<vmem>> -> memref<64xf32, #tpu.memory_space<vmem>>
    %dma_start3A_185 = tpu.memref_slice %arg6[%mul3A_2] : memref<2048xf32, #tpu.memory_space<hbm>> -> memref<64xf32, #tpu.memory_space<hbm>>
    %dma_start3A_186 = tpu.memref_slice %arg6[%mul3A_2] : memref<2048xf32, #tpu.memory_space<hbm>> -> memref<64xf32, #tpu.memory_space<hbm>>
    %dma_start3A_187 = arith.constant 0 : i32
    %dma_start3A_188 = tpu.memref_slice %arg13[%dma_start3A_187] : memref<80xf32, #tpu.memory_space<vmem>> -> memref<64xf32, #tpu.memory_space<vmem>>
    tpu.enqueue_dma source(%dma_start3A_188 : memref<64xf32, #tpu.memory_space<vmem>>) target(%dma_start3A_186 : memref<64xf32, #tpu.memory_space<hbm>>) target_semaphore(%arg17 : memref<!tpu.dma_semaphore, #tpu.memory_space<semaphore_mem>>)
    %dma_start3A_189 = arith.constant 0 : i32
    %dma_start3A_190 = tpu.memref_slice %arg14[%dma_start3A_189] : memref<80xi32, #tpu.memory_space<vmem>> -> memref<64xi32, #tpu.memory_space<vmem>>
    %dma_start3A_191 = tpu.memref_slice %arg7[%mul3A_2] : memref<2048xi32, #tpu.memory_space<hbm>> -> memref<64xi32, #tpu.memory_space<hbm>>
    %dma_start3A_192 = tpu.memref_slice %arg7[%mul3A_2] : memref<2048xi32, #tpu.memory_space<hbm>> -> memref<64xi32, #tpu.memory_space<hbm>>
    %dma_start3A_193 = arith.constant 0 : i32
    %dma_start3A_194 = tpu.memref_slice %arg14[%dma_start3A_193] : memref<80xi32, #tpu.memory_space<vmem>> -> memref<64xi32, #tpu.memory_space<vmem>>
    tpu.enqueue_dma source(%dma_start3A_194 : memref<64xi32, #tpu.memory_space<vmem>>) target(%dma_start3A_192 : memref<64xi32, #tpu.memory_space<hbm>>) target_semaphore(%arg17 : memref<!tpu.dma_semaphore, #tpu.memory_space<semaphore_mem>>)
    %dma_start3A_195 = arith.constant 0 : i32
    %dma_start3A_196 = tpu.memref_slice %arg15[%dma_start3A_195] : memref<80xi32, #tpu.memory_space<vmem>> -> memref<64xi32, #tpu.memory_space<vmem>>
    %dma_start3A_197 = tpu.memref_slice %arg8[%mul3A_2] : memref<2048xi32, #tpu.memory_space<hbm>> -> memref<64xi32, #tpu.memory_space<hbm>>
    %dma_start3A_198 = tpu.memref_slice %arg8[%mul3A_2] : memref<2048xi32, #tpu.memory_space<hbm>> -> memref<64xi32, #tpu.memory_space<hbm>>
    %dma_start3A_199 = arith.constant 0 : i32
    %dma_start3A_200 = tpu.memref_slice %arg15[%dma_start3A_199] : memref<80xi32, #tpu.memory_space<vmem>> -> memref<64xi32, #tpu.memory_space<vmem>>
    tpu.enqueue_dma source(%dma_start3A_200 : memref<64xi32, #tpu.memory_space<vmem>>) target(%dma_start3A_198 : memref<64xi32, #tpu.memory_space<hbm>>) target_semaphore(%arg17 : memref<!tpu.dma_semaphore, #tpu.memory_space<semaphore_mem>>)
    %dma_wait3A_201 = arith.constant 0 : i32
    %dma_wait3A_202 = tpu.memref_slice %arg4[%mul3A_2, %dma_wait3A_201] : memref<2048x32xf32, #tpu.memory_space<hbm>> -> memref<64x32xf32, #tpu.memory_space<hbm>>
    %dma_wait3A_203 = arith.constant 0 : i32
    %dma_wait3A_204 = tpu.memref_slice %arg4[%mul3A_2, %dma_wait3A_203] : memref<2048x32xf32, #tpu.memory_space<hbm>> -> memref<64x32xf32, #tpu.memory_space<hbm>>
    tpu.wait_dma2 semaphore(%arg17 : memref<!tpu.dma_semaphore, #tpu.memory_space<semaphore_mem>>) src(%arg16 : memref<64x32xf32, #tpu.memory_space<vmem>>) dst(%dma_wait3A_204 : memref<64x32xf32, #tpu.memory_space<hbm>>)
    %dma_wait3A_205 = arith.constant 0 : i32
    %dma_wait3A_206 = tpu.memref_slice %arg12[%dma_wait3A_205] : memref<80xf32, #tpu.memory_space<vmem>> -> memref<64xf32, #tpu.memory_space<vmem>>
    %dma_wait3A_207 = tpu.memref_slice %arg5[%mul3A_2] : memref<2048xf32, #tpu.memory_space<hbm>> -> memref<64xf32, #tpu.memory_space<hbm>>
    %dma_wait3A_208 = tpu.memref_slice %arg5[%mul3A_2] : memref<2048xf32, #tpu.memory_space<hbm>> -> memref<64xf32, #tpu.memory_space<hbm>>
    %dma_wait3A_209 = arith.constant 0 : i32
    %dma_wait3A_210 = tpu.memref_slice %arg12[%dma_wait3A_209] : memref<80xf32, #tpu.memory_space<vmem>> -> memref<64xf32, #tpu.memory_space<vmem>>
    tpu.wait_dma2 semaphore(%arg17 : memref<!tpu.dma_semaphore, #tpu.memory_space<semaphore_mem>>) src(%dma_wait3A_210 : memref<64xf32, #tpu.memory_space<vmem>>) dst(%dma_wait3A_208 : memref<64xf32, #tpu.memory_space<hbm>>)
    %dma_wait3A_211 = arith.constant 0 : i32
    %dma_wait3A_212 = tpu.memref_slice %arg13[%dma_wait3A_211] : memref<80xf32, #tpu.memory_space<vmem>> -> memref<64xf32, #tpu.memory_space<vmem>>
    %dma_wait3A_213 = tpu.memref_slice %arg6[%mul3A_2] : memref<2048xf32, #tpu.memory_space<hbm>> -> memref<64xf32, #tpu.memory_space<hbm>>
    %dma_wait3A_214 = tpu.memref_slice %arg6[%mul3A_2] : memref<2048xf32, #tpu.memory_space<hbm>> -> memref<64xf32, #tpu.memory_space<hbm>>
    %dma_wait3A_215 = arith.constant 0 : i32
    %dma_wait3A_216 = tpu.memref_slice %arg13[%dma_wait3A_215] : memref<80xf32, #tpu.memory_space<vmem>> -> memref<64xf32, #tpu.memory_space<vmem>>
    tpu.wait_dma2 semaphore(%arg17 : memref<!tpu.dma_semaphore, #tpu.memory_space<semaphore_mem>>) src(%dma_wait3A_216 : memref<64xf32, #tpu.memory_space<vmem>>) dst(%dma_wait3A_214 : memref<64xf32, #tpu.memory_space<hbm>>)
    %dma_wait3A_217 = arith.constant 0 : i32
    %dma_wait3A_218 = tpu.memref_slice %arg14[%dma_wait3A_217] : memref<80xi32, #tpu.memory_space<vmem>> -> memref<64xi32, #tpu.memory_space<vmem>>
    %dma_wait3A_219 = tpu.memref_slice %arg7[%mul3A_2] : memref<2048xi32, #tpu.memory_space<hbm>> -> memref<64xi32, #tpu.memory_space<hbm>>
    %dma_wait3A_220 = tpu.memref_slice %arg7[%mul3A_2] : memref<2048xi32, #tpu.memory_space<hbm>> -> memref<64xi32, #tpu.memory_space<hbm>>
    %dma_wait3A_221 = arith.constant 0 : i32
    %dma_wait3A_222 = tpu.memref_slice %arg14[%dma_wait3A_221] : memref<80xi32, #tpu.memory_space<vmem>> -> memref<64xi32, #tpu.memory_space<vmem>>
    tpu.wait_dma2 semaphore(%arg17 : memref<!tpu.dma_semaphore, #tpu.memory_space<semaphore_mem>>) src(%dma_wait3A_222 : memref<64xi32, #tpu.memory_space<vmem>>) dst(%dma_wait3A_220 : memref<64xi32, #tpu.memory_space<hbm>>)
    %dma_wait3A_223 = arith.constant 0 : i32
    %dma_wait3A_224 = tpu.memref_slice %arg15[%dma_wait3A_223] : memref<80xi32, #tpu.memory_space<vmem>> -> memref<64xi32, #tpu.memory_space<vmem>>
    %dma_wait3A_225 = tpu.memref_slice %arg8[%mul3A_2] : memref<2048xi32, #tpu.memory_space<hbm>> -> memref<64xi32, #tpu.memory_space<hbm>>
    %dma_wait3A_226 = tpu.memref_slice %arg8[%mul3A_2] : memref<2048xi32, #tpu.memory_space<hbm>> -> memref<64xi32, #tpu.memory_space<hbm>>
    %dma_wait3A_227 = arith.constant 0 : i32
    %dma_wait3A_228 = tpu.memref_slice %arg15[%dma_wait3A_227] : memref<80xi32, #tpu.memory_space<vmem>> -> memref<64xi32, #tpu.memory_space<vmem>>
    tpu.wait_dma2 semaphore(%arg17 : memref<!tpu.dma_semaphore, #tpu.memory_space<semaphore_mem>>) src(%dma_wait3A_228 : memref<64xi32, #tpu.memory_space<vmem>>) dst(%dma_wait3A_226 : memref<64xi32, #tpu.memory_space<hbm>>)
    return
  }
}

module attributes {stable_mosaic.version = 14 : i64} {
  func.func @_dense_body(%arg0: i32, %arg1: memref<512x768xf32, #tpu.memory_space<vmem>>, %arg2: memref<768x64xf32, #tpu.memory_space<vmem>>, %arg3: memref<768x2048xbf16, #tpu.memory_space<vmem>>, %arg4: memref<512x64xf32, #tpu.memory_space<vmem>>, %arg5: memref<8192x128xf32, #tpu.memory_space<vmem>>) attributes {dimension_semantics = [#tpu.dimension_semantics<arbitrary>], iteration_bounds = array<i64: 4>, scalar_prefetch = 0 : i64, scratch_operands = 0 : i64, tpu.core_type = #tpu.core_type<tc>, window_params = [{transform_indices = @transform_0, window_bounds = array<i64: 512, 768>}, {pipeline_mode = #tpu.pipeline_mode<synchronous>, transform_indices = @transform_1, window_bounds = array<i64: 768, 64>}, {pipeline_mode = #tpu.pipeline_mode<synchronous>, transform_indices = @transform_2, window_bounds = array<i64: 768, 2048>}, {transform_indices = @transform_3, window_bounds = array<i64: 512, 64>}, {transform_indices = @transform_4, window_bounds = array<i64: 8192, 128>}]} {
    %get3A = arith.constant 0 : index
    %get3A_0 = arith.constant 0 : index
    %get3A_1 = vector.load %arg1[%get3A, %get3A_0] : memref<512x768xf32, #tpu.memory_space<vmem>>, vector<512x768xf32>
    %get3A_2 = arith.constant 0 : index
    %get3A_3 = arith.constant 0 : index
    %get3A_4 = vector.load %arg2[%get3A_2, %get3A_3] : memref<768x64xf32, #tpu.memory_space<vmem>>, vector<768x64xf32>
    %dot_general3A = arith.constant dense<0.000000e+00> : vector<512x64xf32>
    %dot_general3A_5 = tpu.matmul %get3A_1, %get3A_4, %dot_general3A {dimension_numbers = #tpu.dot_dimension_numbers<[1], [0], [0], [1], [0, 0, 1, 1], [], []>, transpose_lhs_hint = false} : vector<512x768xf32>, vector<768x64xf32>, vector<512x64xf32> -> vector<512x64xf32>
    %swap3A = arith.constant 0 : index
    %swap3A_6 = arith.constant 0 : index
    %swap3A_7 = vector.load %arg4[%swap3A, %swap3A_6] : memref<512x64xf32, #tpu.memory_space<vmem>>, vector<512x64xf32>
    tpu.vector_store %arg4[%swap3A, %swap3A_6], %dot_general3A_5 {strides = array<i32>} : memref<512x64xf32, #tpu.memory_space<vmem>>, vector<512x64xf32>,
    %convert_element_type3A = arith.truncf %get3A_1 : vector<512x768xf32> to vector<512x768xbf16>
    %get3A_8 = arith.constant 0 : index
    %get3A_9 = arith.constant 0 : index
    %get3A_10 = vector.load %arg3[%get3A_8, %get3A_9] : memref<768x2048xbf16, #tpu.memory_space<vmem>>, vector<768x2048xbf16>
    %dot_general3A_11 = arith.constant dense<0.000000e+00> : vector<512x2048xf32>
    %dot_general3A_12 = tpu.matmul %convert_element_type3A, %get3A_10, %dot_general3A_11 {dimension_numbers = #tpu.dot_dimension_numbers<[1], [0], [0], [1], [0, 0, 1, 1], [], []>, transpose_lhs_hint = false} : vector<512x768xbf16>, vector<768x2048xbf16>, vector<512x2048xf32> -> vector<512x2048xf32>
    %reshape3A = vector.shape_cast %dot_general3A_12 : vector<512x2048xf32> to vector<8192x128xf32>
    %swap3A_13 = arith.constant 0 : index
    %swap3A_14 = arith.constant 0 : index
    %swap3A_15 = vector.load %arg5[%swap3A_13, %swap3A_14] : memref<8192x128xf32, #tpu.memory_space<vmem>>, vector<8192x128xf32>
    tpu.vector_store %arg5[%swap3A_13, %swap3A_14], %reshape3A {strides = array<i32>} : memref<8192x128xf32, #tpu.memory_space<vmem>>, vector<8192x128xf32>,
    return
  }
  func.func @transform_0(%arg0: i32) -> (i32, i32) {
    %c0_i32 = arith.constant 0 : i32
    %c0_i32_0 = arith.constant 0 : i32
    return %arg0, %c0_i32 : i32, i32
  }
  func.func @transform_1(%arg0: i32) -> (i32, i32) {
    %c0_i32 = arith.constant 0 : i32
    %c0_i32_0 = arith.constant 0 : i32
    %c0_i32_1 = arith.constant 0 : i32
    return %c0_i32, %c0_i32_0 : i32, i32
  }
  func.func @transform_2(%arg0: i32) -> (i32, i32) {
    %c0_i32 = arith.constant 0 : i32
    %c0_i32_0 = arith.constant 0 : i32
    %c0_i32_1 = arith.constant 0 : i32
    return %c0_i32, %c0_i32_0 : i32, i32
  }
  func.func @transform_3(%arg0: i32) -> (i32, i32) {
    %c0_i32 = arith.constant 0 : i32
    %c0_i32_0 = arith.constant 0 : i32
    return %arg0, %c0_i32 : i32, i32
  }
  func.func @transform_4(%arg0: i32) -> (i32, i32) {
    %c0_i32 = arith.constant 0 : i32
    %c0_i32_0 = arith.constant 0 : i32
    return %arg0, %c0_i32 : i32, i32
  }
}

</mosaic_0001>

<sc_bundles>
// kernel: kernel.4.cloned.1.call-start
scs
__scs_entry_jumppad:
0x0: {  	(pc) =	sbr.rel $0x88, $3  }
0x1: {  	(tag) =	ssettag $0x0;
	lr =	simm.s32 $0x1  }
0x2: {  	[smem:$0x3F9E] =	sst lr;
	_ =	strace $0xD0000000  }
0x3: {  	_ = 	snop  }
0x4: {  	_ = 	snop  }
0x5: {  	_ = 	snop  }
0x6: {  	_ = 	snop  }
0x7: {  	_ = 	snop  }
__scs_overlays_trampoline_lowered:
0x8: {  	[smem:$0x3FAD] =	sst s0  }
0x9: {  	[smem:$0x3FAE] =	sst s1  }
0xa: {  	[smem:$0x3FAF] =	sst s2  }
0xb: {  	[smem:$0x3FB0] =	sst s3  }
0xc: {  	[smem:$0x3FB1] =	sst s4  }
0xd: {  	[smem:$0x3FB2] =	sst s5  }
0xe: {  	[smem:$0x3FB3] =	sst s6  }
0xf: {  	[smem:$0x3FB4] =	sst s7  }
0x10: {  	[smem:$0x3FB5] =	sst s8  }
0x11: {  	[smem:$0x3FB6] =	sst s9;
	s0 =	simm.s32 @!p0 $0x0  }
0x12: {  	s1 =	sld [smem:$0x3F9C];
	s0 =	simm.s32 @p0 $0x1  }
0x13: {  	[smem:$0x3FB7] =	sst s0;
	s0 =	simm.s32 @!p1 $0x0  }
0x14: {  	s2 =	sld [smem:$0x3F9B];
	s0 =	simm.s32 @p1 $0x1  }
0x15: {  	[smem:$0x3FB8] =	sst s0;
	s0 =	simm.s32 @!p2 $0x0  }
0x16: {  	s3 =	sld [smem:$0x3FDB];
	s0 =	simm.s32 @p2 $0x1  }
0x17: {  	s4 =	simm.s32 $0x1BF5;
	[smem:$0x3FBA] =	sst s0  }
0x18: {  	s0 =	sld [smem:$0x3F9D];
	_ =	swait.ge [sflag:s4], $0x0  }
0x19: {  	s7 =	sld [smem:$0x3F9E]  }
0x1a: {  	s8 =	sadd.s32 $0xFFFFE003, lr  }
0x1b: {  	s9 =	sadd.s32 $0xFFFFFEF7, lr;
	s5 =	simm.s32 $0xFFFFFFFF;
	p2 =	slt.u32 s8, $0xFFFFF086  }
0x1c: {  	p1 =	slt.u32 s9, $0xF7A;
	s5 =	simm.s32 @!p2 $0x0  }
0x1d: {  	s5 =	simm.s32 @p1 $0x1;
	p0 =	seq.s32 s7, s2  }
0x1e: {  	s7 =	smul.u32 @!p0 $0xF7A, s2;
	p2 =	seq.s32 @!p0 s5, $0x0  }
0x1f: {  	s9 =	smul.u32 $0xF7A, s1;
	s8 =	simm.s32 @!p0 $0x1BF5;
	p2 =	por !p2, p0  }
0x20: {  	[sflag:s8] =	ssyncset.s32 @!p0 $0xFFFFF086;
	s6 =	sadd.s32 @!p0 s3, s7;
	s7 =	simm.s32 @!p0 $0x108  }
0x21: {  	s3 =	sadd.s32 s3, s9;
	s6 =	sadd.s32 @!p0 $0x88, s6;
	s7 =	simm.s32 @p2 $0x1082  }
0x22: {  	[simem:s7], [sflag:s8] =	dma.local @!p0 [hbm:s6], $0xF7A  }
0x23: {  	s9 =	sor.u32 $0xD0000000, s2;
	s6 =	simm.s32 $0x108;
	_ =	swait.ge @!p0 [sflag:s8], $0x0  }
0x24: {  	s3 =	sadd.s32 $0x88, s3;
	s6 =	simm.s32 @!p1 $0x1082;
	[sflag:s4] =	ssyncset.s32 $0xFFFFF086  }
0x25: {  	[simem:s6], [sflag:s4] =	dma.local [hbm:s3], $0xF7A  }
0x26: {  	[smem:$0x3F9E] =	sst s1;
	(tag) =	ssettag s2;
	_ =	strace s9  }
0x27: {  	s1 =	sld [smem:$0x3FAE]  }
0x28: {  	s2 =	sld [smem:$0x3FAF]  }
0x29: {  	s4 =	sld [smem:$0x3FB1]  }
0x2a: {  	p0 =	seq.s32 s5, $0x0;
	s5 =	sld [smem:$0x3FB2]  }
0x2b: {  	s6 =	sld [smem:$0x3FB3]  }
0x2c: {  	s7 =	sld [smem:$0x3FB4]  }
0x2d: {  	s3 =	simm.s32 $0x108;
	s8 =	sld [smem:$0x3FB5]  }
0x2e: {  	s3 =	simm.s32 @!p0 $0x1082;
	s9 =	sld [smem:$0x3FB6]  }
0x2f: {  	lr =	sadd.s32 s0, s3;
	s0 =	sld [smem:$0x3FAD]  }
0x30: {  	s3 =	sld [smem:$0x3FB0]  }
0x31: {  	[smem:$0x3FB9] =	sst s10  }
0x32: {  	s10 =	sld [smem:$0x3FB7];
	_ =	sdelay $0x3  }
0x33: {  	p0 =	seq.s32 s10, $0x1;
	s10 =	sld [smem:$0x3FB9];
	_ =	sdelay $0x3  }
0x34: {  	[smem:$0x3FB9] =	sst s10  }
0x35: {  	s10 =	sld [smem:$0x3FB8];
	_ =	sdelay $0x3  }
0x36: {  	p1 =	seq.s32 s10, $0x1;
	s10 =	sld [smem:$0x3FB9];
	_ =	sdelay $0x3  }
0x37: {  	[smem:$0x3FB9] =	sst s10  }
0x38: {  	s10 =	sld [smem:$0x3FBA]  }
0x39: {  	_ = 	snop;
	(pc) =	sbr.ind lr, $3  }
0x3a: {  	_ = 	snop  }
0x3b: {  	_ = 	snop  }
0x3c: {  	p2 =	seq.s32 s10, $0x1;
	s10 =	sld [smem:$0x3FB9]  }
0x3d: {  	_ =	shalt  }
0x3e: {  	_ =	shalt  }
0x3f: {  	_ =	shalt  }
0x40: {  	_ =	shalt  }
0x41: {  	_ =	shalt  }
0x42: {  	_ =	shalt  }
0x43: {  	_ =	shalt  }
0x44: {  	_ =	shalt  }
0x45: {  	_ =	shalt  }
0x46: {  	_ =	shalt  }
0x47: {  	_ =	shalt  }
0x48: {  	_ =	shalt  }
0x49: {  	_ =	shalt  }
0x4a: {  	_ =	shalt  }
0x4b: {  	_ =	shalt  }
0x4c: {  	_ =	shalt  }
0x4d: {  	_ =	shalt  }
0x4e: {  	_ =	shalt  }
0x4f: {  	_ =	shalt  }
0x50: {  	_ =	shalt  }
0x51: {  	_ =	shalt  }
0x52: {  	_ =	shalt  }
0x53: {  	_ =	shalt  }
0x54: {  	_ =	shalt  }
0x55: {  	_ =	shalt  }
0x56: {  	_ =	shalt  }
0x57: {  	_ =	shalt  }
0x58: {  	_ =	shalt  }
0x59: {  	_ =	shalt  }
0x5a: {  	_ =	shalt  }
0x5b: {  	_ =	shalt  }
0x5c: {  	_ =	shalt  }
0x5d: {  	_ =	shalt  }
0x5e: {  	_ =	shalt  }
0x5f: {  	_ =	shalt  }
0x60: {  	_ =	shalt  }
0x61: {  	_ =	shalt  }
0x62: {  	_ =	shalt  }
0x63: {  	_ =	shalt  }
0x64: {  	_ =	shalt  }
0x65: {  	_ =	shalt  }
0x66: {  	_ =	shalt  }
0x67: {  	_ =	shalt  }
0x68: {  	_ =	shalt  }
0x69: {  	_ =	shalt  }
0x6a: {  	_ =	shalt  }
0x6b: {  	_ =	shalt  }
0x6c: {  	_ =	shalt  }
0x6d: {  	_ =	shalt  }
0x6e: {  	_ =	shalt  }
0x6f: {  	_ =	shalt  }
0x70: {  	_ =	shalt  }
0x71: {  	_ =	shalt  }
0x72: {  	_ =	shalt  }
0x73: {  	_ =	shalt  }
0x74: {  	_ =	shalt  }
0x75: {  	_ =	shalt  }
0x76: {  	_ =	shalt  }
0x77: {  	_ =	shalt  }
0x78: {  	_ =	shalt  }
0x79: {  	_ =	shalt  }
0x7a: {  	_ =	shalt  }
0x7b: {  	_ =	shalt  }
0x7c: {  	_ =	shalt  }
0x7d: {  	_ =	shalt  }
0x7e: {  	_ =	shalt  }
0x7f: {  	_ =	shalt  }
0x80: {  	_ =	shalt  }
0x81: {  	_ =	shalt  }
0x82: {  	_ =	shalt  }
0x83: {  	_ =	shalt  }
0x84: {  	_ =	shalt  }
0x85: {  	_ =	shalt  }
0x86: {  	_ =	shalt  }
0x87: {  	_ =	shalt  }
.Lfunc_end0:
.L_simem_size_0:
called_computation_lowered:
.L_overlay_start_0:
0x88: {  	s2 =	sld [smem:$0x3FD9]  }
0x89: {  	s3 =	sld [smem:$0x3FFE];
	_ =	sdelay $0x1  }
0x8a: {  	s1 =	srdreg.scid  }
0x8b: {  	s0 =	sand.u32 $0x1, s1  }
0x8c: {  	s14 =	sshll.u32 s0, $0xA;
	s2 =	sadd.s32 s3, s2  }
0x8d: {  	s2 =	sadd.s32 s2, s14  }
0x8e: {  	[smem:$0x3FC5] =	sst s2  }
0x8f: {  	_ = 	snop  }
0x90: {  	s2 =	sld [smem:$0x3FD0];
	_ =	sdelay $0x2  }
0x91: {  	s15 =	simm.s32 $0xA;
	s4 =	simm.s32 $0x10  }
0x92: {  	[smem:s4], [sflag:s15] =	dma.local [hbm:s2], $0x1  }
0x93: {  	_ =	swait.eq [sflag:s15], $0x1  }
0x94: {  	[sflag:s15] =	ssyncset.done $0x0  }
0x95: {  	[sflag:s15] =	ssyncadd.s32 $0xFFFFFFFF  }
0x96: {  	s16 =	sld [smem:$0x12];
	(tm) =	ssettm $0x1  }
0x97: {  	s17 =	sld [smem:$0x3FFB];
	_ =	sdelay $0x3  }
0x98: {  	_ =	strace s17  }
0x99: {  	s3 =	sld [smem:$0x3FFC];
	_ =	sdelay $0x3  }
0x9a: {  	_ =	strace s3  }
0x9b: {  	s3 =	sld [smem:$0x3FFD];
	_ =	sdelay $0x3  }
0x9c: {  	_ =	strace s3  }
0x9d: {  	_ =	strace $0x8FFFFFFF  }
0x9e: {  	s18 =	sld [smem:$0x3FDB];
	_ =	sdelay $0x1  }
0x9f: {  	s19 =	simm.s32 $_scs_section_size  }
0xa0: {  	s5 =	simm.s32 $_size__tile_overlayer_lowered;
	s6 =	simm.s32 $_tile_overlayer_lowered  }
0xa1: {  	s22 =	simm.s32 $0x1BFF;
	s21 =	sshll.u32 s6, $0x1;
	s3 =	sadd.s32 s19, s18  }
0xa2: {  	s7 =	simm.s32 $0x0;
	s20 =	sshll.u32 s5, $0x1;
	s5 =	sadd.s32 s21, s3  }
0xa3: {  	[timem:s7], [sflag:s22] =	dma.local [hbm:s5], s20  }
0xa4: {  	_ =	swait.ge [sflag:s22], s20  }
0xa5: {  	s4 =	ssub.s32 $0x0, s20;
	[sflag:s22] =	ssyncset.done $0x0  }
0xa6: {  	[sflag:s22] =	ssyncadd.s32 s4;
	_ =	sdelay $0x1  }
0xa7: {  	s23 =	simm.s32 $0x1B8B  }
0xa8: {  	_ =	swait.ge [sflag:s23], $0x1  }
0xa9: {  	[sflag:s23] =	ssyncset.done $0x0  }
0xaa: {  	s25 =	simm.s32 $0x1B8E;
	s24 =	sld [smem:$0x3FFE];
	[sflag:s23] =	ssyncadd.s32 $0xFFFFFFFF  }
0xab: {  	s26 =	simm.s32 $execute0_lowered;
	[smem:$0x3FD2] =	sst s25  }
0xac: {  	s5 =	sshll.u32 s26, $0x1;
	_ =	strace $0x80000046;
	[dreg:$0x1] =	wrdreg $0xFFFFFFFF  }
0xad: {  	s28 =	simm.s32 $_size_execute0_lowered;
	s3 =	sadd.s32 s3, s5;
	[dreg:$0x0] =	wrdreg $0x0  }
0xae: {  	s5 =	sshll.u32 s28, $0x1;
	[dreg:$0x2] =	wrdreg s3  }
0xaf: {  	[dreg:$0x3] =	wrdreg s5  }
0xb0: {  	[dreg:$0x4] =	wrdreg $0xC0  }
0xb1: {  	_ =	task [dreg:s7], $0x5FFFF  }
0xb2: {  	[dreg:$0x1] =	wrdreg $0xFFFFFFFF  }
0xb3: {  	[dreg:$0x0] =	wrdreg $0x60  }
0xb4: {  	[dreg:$0x2] =	wrdreg s24  }
0xb5: {  	[dreg:$0x3] =	wrdreg s16  }
0xb6: {  	[dreg:$0x4] =	wrdreg $0x9  }
0xb7: {  	_ =	task.clear_ibuf [dreg:s7], $0x5FFFF;
	_ =	strace $0x90000046  }
0xb8: {  	s29 =	simm.s32 $0x9;
	_ =	strace $0x80000048  }
0xb9: {  	_ =	swait.ge [sflag:s29], $0x1  }
0xba: {  	[sflag:s29] =	ssyncadd.s32 $0xFFFFFFFF  }
0xbb: {  	_ =	strace $0x90000048  }
0xbc: {  	_ =	sfence  }
0xbd: {  	s30 =	sld [smem:$0x0];
	_ =	sdelay $0x2  }
0xbe: {  	s31 =	sshll.u32 s1, $0xD;
	s1 =	sshrl.u32 s1, $0x2  }
0xbf: {  	s3 =	sand.u32 $0x4000, s31;
	s1 =	sadd.s32 s1, s30  }
0xc0: {  	s0 =	sor.u32 s3, s0;
	s1 =	sshll.u32 s1, $0x11  }
0xc1: {  	s0 =	sor.u32 s1, s0  }
0xc2: {  	s0 =	sadd.s32 $0x8F2B, s0  }
0xc3: {  	[sflag:s0] =	ssyncadd.remote.s32 $0x1  }
0xc4: {  	_ =	sfence.sel $0xFFFF  }
0xc5: {  	[dreg:$0x0] =	wrdreg $0xFFFFFFFF;
	(pc) =	sbr.abs _section_cstart, $3  }
0xc6: {  	[dreg:$0x1] =	wrdreg $0xFFFFFFFF  }
0xc7: {  	_ =	task.clear_ibuf [dreg:s7], $0x2FFFF;
	_ =	strace $0x9FFFFFFF  }
0xc8: {  	(tm) =	ssettm $0x7FFFFFFF  }
0xc9: {  	_ =	shalt  }
tec
execute0_lowered:
.L_overlay_start_1:
0x0: {  	(tag) =	ssettag $0x1  }
0x1: {  	s4 =	rddreg [dreg:$0x0]  }
0x2: {  	s6 =	rddreg [dreg:$0x1]  }
0x3: {  	s0 =	rddreg [dreg:$0x2];
	s2 =	simm.s32 $0x0;
	s3 =	srdreg.scid  }
0x4: {  	s1 =	stileid.u32;
	s15 =	simm.s32 $0x1;
	s16 =	simm.s32 $0x6280  }
0x5: {  	s17 =	simm.s32 $0x6080;
	s18 =	simm.s32 $0x6100;
	s19 =	simm.s32 $0x6180  }
0x6: {  	s20 =	simm.s32 $0x6200;
	s21 =	simm.s32 $0x0;
	s5 =	sand.u32 $0x1, s3  }
0x7: {  	[smem:$0x7FF] =	sst s2;
	s7 =	sshll.u32 s1, $0x7;
	s8 =	sshll.u32 s5, $0x6  }
0x8: {  	v1 =	vlaneseq.u32;
	s3 =	sadd.s32 $0x1600, s4;
	s5 =	ssub.s32 $0x2, s5;
	s7 =	sor.u32 s8, s7  }
0x9: {  	v4 =	vmul.u32 $0x10, v1;
	v1 =	vmul.u32 $0x80, v1;
	_ =	strace $0x80000047;
	s10 =	sshrl.u32 s5, $0x1;
	s8 =	sshll.u32 s7, $0x4  }
0xa: {  	s9 =	sshrl.u32 s7, $0x3;
	s10 =	ssub.s32 s5, s10;
	s12 =	sor.u32 $0x10, s7  }
0xb: {  	v6 =	vor.u32 $0x1000, v1;
	v7 =	vor.u32 $0x1800, v1;
	v0 =	vmov s7;
	s13 =	sor.u32 $0x20, s7;
	s14 =	sor.u32 $0x30, s7;
	s8 =	sadd.s32 s8, s4  }
0xc: {  	s11 =	sadd.s32 s9, s4;
	v0 =	vshll.u32 v0, $0x4;
	s6 =	sadd.s32 s6, s9;
	v2 =	vmov s12;
	v3 =	vmov s13;
	s10 =	smax.u32 s10, $0x1  }
0xd: {  	v5 =	vmov s14;
	s12 =	simm.s32 $0x80;
	s13 =	simm.s32 $0x2000;
	s14 =	simm.s32 $0x2080;
	v0 =	vor.u32 v4, v0;
	v2 =	vshll.u32 v2, $0x4  }
0xe: {  	s4 =	sadd.s32 $0x81600, s8;
	s5 =	sadd.s32 $0x89600, s8;
	s7 =	sadd.s32 $0x91600, s11;
	v3 =	vshll.u32 v3, $0x4;
	v5 =	vshll.u32 v5, $0x4;
	v2 =	vor.u32 v4, v2  }
0xf: {  	s8 =	sadd.s32 $0x91800, s11;
	s9 =	sadd.s32 $0x91A00, s11;
	s11 =	simm.s32 $0x2;
	v3 =	vor.u32 v4, v3;
	v4 =	vor.u32 v4, v5;
	v5 =	vor.u32 $0x800, v1  }
.LBB2_1:
0x10: {  	v9 =	vor.u32 s2, v7  }
0x11: {  	v8 =	vor.u32 s2, v1;
	[tilespmem:s2], [sflag:$0x2] =	stream.linear.gather [hbm4b:s4+s2], $0x2000, $0x38;
	[tilespmem:$0x8280] =	vst v63  }
0x12: {  	v10 =	vor.u32 s2, v5;
	_ =	swait.ge [sflag:s11], $0x2000  }
0x13: {  	v21 =	vimm.f32 $-Inf;
	v14 =	vimm.s32 $0x0;
	[sflag:s11] =	ssyncset.done $0x0  }
0x14: {  	v18 =	vimm.f32 $-Inf;
	v33 =	vimm.f32 $-Inf;
	v17 =	vimm.s32 $0x0;
	[sflag:s11] =	ssyncadd.s32 $0xFFFFE000  }
0x15: {  	v29 =	vimm.f32 $-Inf;
	v32 =	vimm.f32 $-Inf;
	v19 =	vld.idx.msk [tilespmem:v9+s2+$0x0], $0xffff;
	v9 =	vor.u32 s2, v6  }
0x16: {  	v12 =	vimm.s32 $0x0;
	v36 =	vimm.f32 $-Inf;
	v22 =	vimm.f32 $-Inf;
	v24 =	vld.idx.msk [tilespmem:v8+s2+$0x0], $0xffff  }
0x17: {  	v11 =	vimm.s32 $0x0;
	v15 =	vimm.s32 $0x0;
	v25 =	vimm.f32 $-Inf;
	v30 =	vld.idx.msk [tilespmem:v10+s2+$0x0], $0xffff  }
0x18: {  	s22 =	simm.s32 $0x1;
	v20 =	vimm.f32 $-Inf;
	v16 =	vimm.s32 $0x0;
	v23 =	vimm.f32 $-Inf  }
0x19: {  	v35 =	vimm.f32 $-Inf;
	v38 =	vor.u32 s22, v1;
	v28 =	vor.u32 s22, v7  }
0x1a: {  	v37 =	vor.u32 s22, v5;
	v34 =	vor.u32 s22, v6;
	v10 =	vimm.s32 $0x0;
	v26 =	vld.idx.msk [tilespmem:v9+s2+$0x0], $0xffff  }
0x1b: {  	v8 =	vimm.s32 $0x0;
	vm2 =	vgt.f32 v24, v21;
	vm0 =	vgt.f32 v19, v21  }
0x1c: {  	vm1 =	vgt.f32 v30, v21;
	v9 =	vimm.s32 $0x0;
	v13 =	vsel vm2, s2, v14  }
0x1d: {  	s24 =	simm.s32 $0x2;
	s23 =	simm.s32 $0x0;
	v27 =	vsel vm2, v24, v21;
	v31 =	vsel vm2, s2, v14;
	vm5 =	vmmov vm2  }
.LBB2_2:
0x1e: {  	p0 =	sne.s32 s24, $0x3F;
	v31 =	vsel vm2, v14, v31;
	vm3 =	vgt.f32 v30, v21;
	vm4 =	vgt.f32 v19, v18;
	v14 =	vmovc v13;
	s25 =	smov.u32 s24;
	s24 =	sadd.s32 $0x1, s24  }
0x1f: {  	v33 =	vsel vm5, v24, v33;
	v17 =	vsel vm1, s23, v17;
	vm5 =	vgt.f32 v26, v29  }
0x20: {  	v33 =	vsel vm2, v32, v33;
	v29 =	vsel vm5, v26, v29;
	v12 =	vsel vm5, s23, v12;
	v32 =	vmovc v27;
	v24 =	vld.idx.msk [tilespmem:v38+s2+$0x0], $0xffff  }
0x21: {  	v36 =	vsel vm1, v30, v36;
	vm1 =	vgt.f32 v26, v22;
	v11 =	vsel vm0, s23, v11;
	v28 =	vld.idx.msk [tilespmem:v28+s2+$0x0], $0xffff  }
0x22: {  	v15 =	vsel vm3, s23, v15;
	v22 =	vsel vm1, v26, v22;
	v18 =	vsel vm4, v19, v18;
	v37 =	vld.idx.msk [tilespmem:v37+s2+$0x0], $0xffff  }
0x23: {  	v19 =	vsel vm0, v19, v20;
	v29 =	vsel vm1, v25, v29;
	v12 =	vsel vm1, v10, v12;
	v26 =	vld.idx.msk [tilespmem:v34+s2+$0x0], $0xffff  }
0x24: {  	v17 =	vsel vm3, v16, v17;
	v8 =	vsel vm4, s23, v8;
	v20 =	vsel vm4, v23, v19;
	v16 =	vmovc v15;
	v25 =	vmovc v22  }
.Ltmp0:
0x25: {  	v21 =	vsel vm3, v30, v21;
	v11 =	vsel vm4, v9, v11;
	v10 =	vsel vm1, s23, v10;
	v23 =	vmovc v18;
	v9 =	vmovc v8;
	s23 =	smov.u32 s22;
	s22 =	smov.u32 s25;
	(pc) =	sbr.rel @p0 .LBB2_2-.Ltmp0, $4  }
0x26: {  	v36 =	vsel vm3, v35, v36;
	v35 =	vmovc v21;
	vm2 =	vgt.f32 v24, v27;
	vm5 =	vgt.f32 v24, v33  }
0x27: {  	v38 =	vor.u32 s22, v1;
	v13 =	vsel vm2, s23, v13;
	vm0 =	vgt.f32 v28, v20;
	v19 =	vmovc v28  }
0x28: {  	v28 =	vor.u32 s22, v7;
	v27 =	vsel vm2, v24, v27;
	vm1 =	vgt.f32 v37, v36;
	v30 =	vmovc v37  }
0x29: {  	v34 =	vor.u32 s22, v6;
	v31 =	vsel vm5, s23, v31;
	v37 =	vor.u32 s22, v5  }
0x2a: {  	_ =	sdelay $0x3  }
0x2b: {  	v38 =	vld.idx.msk [tilespmem:v38+s2+$0x0], $0xffff;
	_ =	sdelay $0x2  }
0x2c: {  	v24 =	vsel vm5, v24, v33  }
0x2d: {  	v24 =	vsel vm2, v32, v24  }
0x2e: {  	vm14 =	vgt.f32 v38, v24  }
0x2f: {  	vm13 =	vgt.f32 v38, v27;
	v24 =	vsel vm14, v38, v24  }
0x30: {  	v63 =	vsel vm13, v38, v27;
	v24 =	vsel vm13, v27, v24  }
0x31: {  	v24 =	vsub.f32 v24, v63;
	_ =	sdelay $0x1  }
0x32: {  	v24 =	vmul.f32 $1.442695020e+00, v24;
	_ =	sdelay $0x1  }
0x33: {  	(erf) = vpow2.f32 v24  }
0x34: {  	v32 =	vld.idx.msk [tilespmem:v37+s2+$0x0], $0xffff;
	_ =	sdelay $0x2  }
0x35: {  	vm7 =	vgt.f32 v30, v21;
	v33 =	vsel vm1, v30, v36  }
0x36: {  	v27 =	vsel vm7, v35, v33  }
0x37: {  	v21 =	vsel vm7, v30, v21;
	vm12 =	vgt.f32 v32, v27  }
0x38: {  	vm15 =	vgt.f32 v32, v21;
	v27 =	vsel vm12, v32, v27  }
0x39: {  	v24 =	vsel vm15, v32, v21;
	v21 =	vsel vm15, v21, v27  }
0x3a: {  	v21 =	vsub.f32 v21, v24;
	v36 =	vpop (erf)  }
0x3b: {  	v37 =	vadd.f32 $1.000000000e+00, v36  }
0x3c: {  	v21 =	vmul.f32 $1.442695020e+00, v21  }
0x3d: {  	(erf) = vrcp.f32 v37  }
0x3e: {  	(erf) = vpow2.f32 v21  }
0x3f: {  	v38 =	vld.idx.msk [tilespmem:v34+s2+$0x0], $0xffff;
	_ =	sdelay $0x1  }
0x40: {  	vm11 =	vgt.f32 v26, v29  }
0x41: {  	vm8 =	vgt.f32 v26, v22;
	v39 =	vsel vm11, v26, v29  }
0x42: {  	v24 =	vsel vm8, v25, v39  }
0x43: {  	v22 =	vsel vm8, v26, v22;
	vm10 =	vgt.f32 v38, v24  }
0x44: {  	vm6 =	vgt.f32 v38, v22;
	v24 =	vsel vm10, v38, v24  }
0x45: {  	v21 =	vsel vm6, v38, v22;
	v22 =	vsel vm6, v22, v24;
	v40 =	vpop (erf)  }
0x46: {  	v21 =	vsub.f32 v22, v21;
	v41 =	vpop (erf)  }
0x47: {  	v42 =	vadd.f32 $1.000000000e+00, v41  }
0x48: {  	v21 =	vmul.f32 $1.442695020e+00, v21  }
0x49: {  	(erf) = vrcp.f32 v42  }
0x4a: {  	(erf) = vpow2.f32 v21  }
0x4b: {  	v43 =	vld.idx.msk [tilespmem:v28+s2+$0x0], $0xffff;
	_ =	sdelay $0x2  }
0x4c: {  	vm4 =	vgt.f32 v19, v18;
	v20 =	vsel vm0, v19, v20  }
0x4d: {  	v20 =	vsel vm4, v23, v20  }
0x4e: {  	v18 =	vsel vm4, v19, v18;
	vm9 =	vgt.f32 v43, v20  }
0x4f: {  	vm3 =	vgt.f32 v43, v18;
	v44 =	vsel vm9, v43, v20  }
0x50: {  	v45 =	vsel vm3, v43, v18;
	v18 =	vsel vm3, v18, v44;
	v46 =	vpop (erf)  }
0x51: {  	v18 =	vsub.f32 v18, v45;
	v47 =	vpop (erf)  }
0x52: {  	v48 =	vadd.f32 $1.000000000e+00, v47  }
0x53: {  	v18 =	vmul.f32 $1.442695020e+00, v18  }
0x54: {  	v14 =	vsel vm2, v14, v31;
	v11 =	vsel vm0, s23, v11;
	(erf) = vrcp.f32 v48  }
0x55: {  	v8 =	vsel vm4, s23, v8;
	v50 =	vsel vm13, s22, v13;
	(erf) = vpow2.f32 v18  }
0x56: {  	v9 =	vsel vm4, v9, v11;
	v14 =	vsel vm14, s22, v14;
	v11 =	vsel vm3, s22, v8;
	[tilespmem:$0x6180] =	vst v50  }
0x57: {  	v15 =	vsel vm7, s23, v15;
	v51 =	vsel vm13, v13, v14;
	[tilespmem:$0x61B0] =	vst v11  }
0x58: {  	v9 =	vsel vm9, s22, v9;
	v57 =	vsel vm15, s22, v15;
	[tilespmem:$0x6200] =	vst v51  }
0x59: {  	v52 =	vshra.s32 v50, $0x2;
	v8 =	vsel vm3, v8, v9;
	[tilespmem:$0x6190] =	vst v57  }
0x5a: {  	v9 =	vshra.s32 v11, $0x2;
	v14 =	vadd.s32 v0, v52;
	[tilespmem:$0x6230] =	vst v8  }
0x5b: {  	v17 =	vsel vm1, s23, v17;
	v13 =	vshra.s32 v51, $0x2;
	v9 =	vadd.s32 v4, v9;
	[tilespmem:$0x2000] =	vst v14  }
0x5c: {  	v16 =	vsel vm7, v16, v17;
	v8 =	vshra.s32 v8, $0x2;
	v13 =	vadd.s32 v0, v13;
	[tilespmem:$0x2030] =	vst v9  }
0x5d: {  	v16 =	vsel vm12, s22, v16;
	v8 =	vadd.s32 v4, v8;
	[tilespmem:$0x2040] =	vst v13;
	v53 =	vpop (erf)  }
0x5e: {  	v12 =	vsel vm11, s23, v12;
	v59 =	vshra.s32 v57, $0x2;
	v58 =	vsel vm15, v15, v16;
	[tilespmem:$0x2070] =	vst v8;
	v54 =	vpop (erf)  }
0x5f: {  	v15 =	vadd.s32 v2, v59;
	[tilespmem:$0x6210] =	vst v58;
	v13 =	vshra.s32 v58, $0x2;
	v56 =	vadd.f32 $1.000000000e+00, v54  }
0x60: {  	v12 =	vsel vm8, v10, v12;
	v10 =	vsel vm8, s23, v10;
	[tilespmem:$0x2010] =	vst v15;
	v13 =	vadd.s32 v2, v13  }
0x61: {  	v61 =	vsel vm6, s22, v10;
	[tilespmem:$0x2050] =	vst v13;
	v12 =	vsel vm10, s22, v12;
	(erf) = vrcp.f32 v56  }
0x62: {  	[tilespmem:$0x61A0] =	vst v61;
	v62 =	vshra.s32 v61, $0x2;
	v10 =	vsel vm6, v10, v12  }
0x63: {  	v12 =	vadd.s32 v3, v62;
	[tilespmem:$0x6220] =	vst v10;
	v10 =	vshra.s32 v10, $0x2  }
0x64: {  	[tilespmem:$0x2020] =	vst v12;
	v10 =	vadd.s32 v3, v10  }
0x65: {  	[tilespmem:$0x2060] =	vst v10;
	v49 =	vmul.f32 v40, v36  }
0x66: {  	[tilespmem:$0x6080] =	vst v40  }
0x67: {  	[tilespmem:$0x6100] =	vst v49;
	v55 =	vmul.f32 v46, v41  }
0x68: {  	[tilespmem:$0x6090] =	vst v46  }
0x69: {  	[tilespmem:$0x6110] =	vst v55;
	v60 =	vmul.f32 v53, v47  }
0x6a: {  	[tilespmem:$0x60A0] =	vst v53;
	v63 =	vpop (erf)  }
0x6b: {  	[tilespmem:$0x6120] =	vst v60;
	v10 =	vmul.f32 v63, v54  }
0x6c: {  	[tilespmem:$0x60B0] =	vst v63  }
0x6d: {  	[tilespmem:$0x6130] =	vst v10  }
0x6e: {  	[tilespmem:s14], [sflag:$0x1] =	stream.indirect.gather [hbm4b:s3+s12], $0x80, s13, s12, $0xb8;
	[tilespmem:$0x8280] =	vst v63  }
0x6f: {  	_ =	swait.ge [sflag:s15], $0x4000  }
0x70: {  	[sflag:s15] =	ssyncset.done $0x0  }
0x71: {  	s26 =	simm.s32 $0x6220;
	[sflag:s15] =	ssyncadd.s32 $0xFFFFC000  }
0x72: {  	s22 =	simm.s32 $0x61A0;
	v8 =	vld [tilespmem:s26+$0xFFFFFFE0]  }
0x73: {  	v9 =	vld [tilespmem:s22+$0xFFFFFFE0];
	_ =	sdelay $0x3  }
0x74: {  	(v2sf) =	vpush v8, $0x0  }
0x75: {  	(v2sf) =	vpush v9, $0x0;
	_ =	sdelay $0xd  }
0x76: {  	s25 =	spop (v2sf)  }
0x77: {  	s23 =	simm.s32 $0x6120;
	s24 =	spop (v2sf);
	s25 =	sand.u32 $0x3, s25  }
0x78: {  	v8 =	vld.msk [tilespmem:s23+$0xFFFFFFE0 ss:$0x0], $0xffff;
	s28 =	sand.u32 $0x3, s24;
	s24 =	simm.s32 $0x60A0;
	s25 =	sshll.u32 s25, $0x5  }
0x79: {  	s28 =	sshll.u32 s28, $0x5;
	v9 =	vld.msk [tilespmem:s24+$0xFFFFFFE0 ss:$0x0], $0xffff;
	s29 =	sadd.s32 $0x0, s25  }
0x7a: {  	s28 =	sadd.s32 $0x0, s28;
	v11 =	vld [tilespmem:s29+$0x4080]  }
0x7b: {  	v10 =	vld [tilespmem:s28+$0x2080];
	_ =	sdelay $0x4  }
0x7c: {  	v11 =	vmul.f32 v11, v8;
	v10 =	vmul.f32 v10, v9;
	_ =	sdelay $0x1  }
0x7d: {  	v10 =	vadd.f32 v11, v10  }
0x7e: {  	s25 =	simm.s32 $0x0  }
0x7f: {  	[tilespmem:s25+$0x6280] =	vst v10  }
0x80: {  	v10 =	vld [tilespmem:s28+$0x2090]  }
0x81: {  	v11 =	vld [tilespmem:s29+$0x4090];
	_ =	sdelay $0x4  }
0x82: {  	v9 =	vmul.f32 v10, v9;
	v8 =	vmul.f32 v11, v8;
	_ =	sdelay $0x1  }
0x83: {  	v8 =	vadd.f32 v8, v9;
	_ =	sdelay $0x1  }
0x84: {  	[tilespmem:s25+$0x6290] =	vst v8  }
0x85: {  	v8 =	vld [tilespmem:s22+$0xFFFFFFF0]  }
0x86: {  	v9 =	vld [tilespmem:s26+$0xFFFFFFF0];
	_ =	sdelay $0x3  }
0x87: {  	(v2sf) =	vpush v8, $0x0  }
0x88: {  	(v2sf) =	vpush v9, $0x0;
	_ =	sdelay $0xd  }
0x89: {  	s28 =	spop (v2sf)  }
0x8a: {  	s28 =	sand.u32 $0x3, s28;
	s29 =	spop (v2sf)  }
0x8b: {  	v8 =	vld.msk [tilespmem:s23+$0xFFFFFFF0 ss:$0x0], $0xffff;
	s28 =	sshll.u32 s28, $0x5;
	s29 =	sand.u32 $0x3, s29  }
0x8c: {  	v9 =	vld.msk [tilespmem:s24+$0xFFFFFFF0 ss:$0x0], $0xffff;
	s28 =	sadd.s32 $0x0, s28;
	s29 =	sshll.u32 s29, $0x5  }
0x8d: {  	v10 =	vld [tilespmem:s28+$0x2880];
	s29 =	sadd.s32 $0x0, s29  }
0x8e: {  	v11 =	vld [tilespmem:s29+$0x4880];
	_ =	sdelay $0x4  }
0x8f: {  	v10 =	vmul.f32 v10, v9;
	v11 =	vmul.f32 v11, v8;
	_ =	sdelay $0x1  }
0x90: {  	v10 =	vadd.f32 v11, v10;
	_ =	sdelay $0x1  }
0x91: {  	[tilespmem:s25+$0x6A80] =	vst v10  }
0x92: {  	v10 =	vld [tilespmem:s28+$0x2890]  }
0x93: {  	v11 =	vld [tilespmem:s29+$0x4890];
	_ =	sdelay $0x4  }
0x94: {  	v9 =	vmul.f32 v10, v9;
	v8 =	vmul.f32 v11, v8;
	_ =	sdelay $0x1  }
0x95: {  	v8 =	vadd.f32 v8, v9;
	_ =	sdelay $0x1  }
0x96: {  	[tilespmem:s25+$0x6A90] =	vst v8  }
0x97: {  	v8 =	vld [tilespmem:s22+$0x0]  }
0x98: {  	v9 =	vld [tilespmem:s26+$0x0];
	_ =	sdelay $0x3  }
0x99: {  	(v2sf) =	vpush v8, $0x0  }
0x9a: {  	(v2sf) =	vpush v9, $0x0;
	_ =	sdelay $0xd  }
0x9b: {  	s28 =	spop (v2sf)  }
0x9c: {  	s29 =	spop (v2sf);
	s28 =	sand.u32 $0x3, s28  }
0x9d: {  	v8 =	vld.msk [tilespmem:s24+$0x0 ss:$0x0], $0xffff;
	s29 =	sand.u32 $0x3, s29;
	s28 =	sshll.u32 s28, $0x5  }
0x9e: {  	v9 =	vld.msk [tilespmem:s23+$0x0 ss:$0x0], $0xffff;
	s29 =	sshll.u32 s29, $0x5;
	s28 =	sadd.s32 $0x0, s28  }
0x9f: {  	s29 =	sadd.s32 $0x0, s29;
	v11 =	vld [tilespmem:s28+$0x3080]  }
0xa0: {  	v10 =	vld [tilespmem:s29+$0x5080];
	_ =	sdelay $0x4  }
0xa1: {  	v11 =	vmul.f32 v11, v8;
	v10 =	vmul.f32 v10, v9;
	_ =	sdelay $0x1  }
0xa2: {  	v10 =	vadd.f32 v10, v11;
	_ =	sdelay $0x1  }
0xa3: {  	[tilespmem:s25+$0x7280] =	vst v10  }
0xa4: {  	v10 =	vld [tilespmem:s28+$0x3090]  }
0xa5: {  	v11 =	vld [tilespmem:s29+$0x5090];
	_ =	sdelay $0x4  }
0xa6: {  	v8 =	vmul.f32 v10, v8;
	v9 =	vmul.f32 v11, v9;
	_ =	sdelay $0x1  }
0xa7: {  	v8 =	vadd.f32 v9, v8;
	_ =	sdelay $0x1  }
0xa8: {  	[tilespmem:s25+$0x7290] =	vst v8  }
0xa9: {  	v8 =	vld [tilespmem:s22+$0x10]  }
0xaa: {  	v9 =	vld [tilespmem:s26+$0x10];
	_ =	sdelay $0x3  }
0xab: {  	(v2sf) =	vpush v8, $0x0  }
0xac: {  	(v2sf) =	vpush v9, $0x0;
	_ =	sdelay $0xd  }
0xad: {  	s31 =	spop (v2sf)  }
0xae: {  	s26 =	sand.u32 $0x3, s31;
	s28 =	spop (v2sf)  }
0xaf: {  	v8 =	vld.msk [tilespmem:s24+$0x10 ss:$0x0], $0xffff;
	s26 =	sshll.u32 s26, $0x5;
	s28 =	sand.u32 $0x3, s28  }
0xb0: {  	v9 =	vld.msk [tilespmem:s23+$0x10 ss:$0x0], $0xffff;
	s29 =	sadd.s32 $0x0, s26;
	s31 =	sshll.u32 s28, $0x5  }
0xb1: {  	v10 =	vld [tilespmem:s29+$0x3880];
	s30 =	sadd.s32 $0x0, s31  }
0xb2: {  	v11 =	vld [tilespmem:s30+$0x5880];
	_ =	sdelay $0x4  }
0xb3: {  	s26 =	simm.s32 $0x200;
	s28 =	simm.s32 $0x6221;
	v10 =	vmul.f32 v10, v8;
	v11 =	vmul.f32 v11, v9  }
.LBB2_4:
0xb4: {  	s24 =	sadd.s32 $0x1, s24;
	s23 =	sadd.s32 $0x1, s23;
	s22 =	sadd.s32 $0x1, s22  }
0xb5: {  	p0 =	sne.s32 s26, $0x1E00;
	s31 =	smov.u32 s26;
	s26 =	sadd.s32 $0x200, s26;
	v10 =	vadd.f32 v11, v10  }
0xb6: {  	_ = 	snop  }
0xb7: {  	[tilespmem:s25+$0x7A80] =	vst v10  }
0xb8: {  	v10 =	vld [tilespmem:s29+$0x3890]  }
0xb9: {  	v11 =	vld [tilespmem:s30+$0x5890];
	_ =	sdelay $0x3  }
0xba: {  	v8 =	vmul.f32 v10, v8  }
0xbb: {  	v9 =	vmul.f32 v11, v9;
	_ =	sdelay $0x1  }
0xbc: {  	v8 =	vadd.f32 v9, v8;
	_ =	sdelay $0x1  }
0xbd: {  	[tilespmem:s25+$0x7A90] =	vst v8  }
0xbe: {  	v8 =	vld [tilespmem:s28+$0xFFFFFFE0]  }
0xbf: {  	v9 =	vld [tilespmem:s22+$0xFFFFFFE0];
	_ =	sdelay $0x3  }
0xc0: {  	(v2sf) =	vpush v8, $0x0  }
0xc1: {  	(v2sf) =	vpush v9, $0x0;
	_ =	sdelay $0xd  }
0xc2: {  	s25 =	spop (v2sf)  }
0xc3: {  	s25 =	sand.u32 $0x3, s25;
	s29 =	spop (v2sf)  }
0xc4: {  	s29 =	sand.u32 $0x3, s29;
	s30 =	sshll.u32 s25, $0x5  }
0xc5: {  	s25 =	sshra.s32 s31, $0x2;
	s29 =	sshll.u32 s29, $0x5;
	v8 =	vld.msk [tilespmem:s23+$0xFFFFFFE0 ss:$0x0], $0xffff  }
0xc6: {  	s30 =	sadd.s32 s25, s30;
	s29 =	sadd.s32 s25, s29;
	v9 =	vld.msk [tilespmem:s24+$0xFFFFFFE0 ss:$0x0], $0xffff  }
0xc7: {  	v10 =	vld [tilespmem:s29+$0x2080]  }
0xc8: {  	v11 =	vld [tilespmem:s30+$0x4080];
	_ =	sdelay $0x3  }
0xc9: {  	v10 =	vmul.f32 v10, v9  }
0xca: {  	v11 =	vmul.f32 v11, v8;
	_ =	sdelay $0x1  }
0xcb: {  	v10 =	vadd.f32 v11, v10;
	_ =	sdelay $0x1  }
0xcc: {  	[tilespmem:s25+$0x6280] =	vst v10  }
0xcd: {  	v10 =	vld [tilespmem:s29+$0x2090]  }
0xce: {  	v11 =	vld [tilespmem:s30+$0x4090];
	_ =	sdelay $0x3  }
0xcf: {  	v9 =	vmul.f32 v10, v9  }
0xd0: {  	v8 =	vmul.f32 v11, v8;
	_ =	sdelay $0x1  }
0xd1: {  	v8 =	vadd.f32 v8, v9;
	_ =	sdelay $0x1  }
0xd2: {  	[tilespmem:s25+$0x6290] =	vst v8  }
0xd3: {  	v8 =	vld [tilespmem:s22+$0xFFFFFFF0]  }
0xd4: {  	v9 =	vld [tilespmem:s28+$0xFFFFFFF0];
	_ =	sdelay $0x3  }
0xd5: {  	(v2sf) =	vpush v8, $0x0  }
0xd6: {  	(v2sf) =	vpush v9, $0x0;
	_ =	sdelay $0xd  }
0xd7: {  	s29 =	spop (v2sf)  }
0xd8: {  	s29 =	sand.u32 $0x3, s29;
	s30 =	spop (v2sf)  }
0xd9: {  	s29 =	sshll.u32 s29, $0x5;
	s30 =	sand.u32 $0x3, s30;
	v8 =	vld.msk [tilespmem:s23+$0xFFFFFFF0 ss:$0x0], $0xffff  }
0xda: {  	s29 =	sadd.s32 s25, s29;
	v9 =	vld.msk [tilespmem:s24+$0xFFFFFFF0 ss:$0x0], $0xffff;
	s30 =	sshll.u32 s30, $0x5  }
0xdb: {  	v10 =	vld [tilespmem:s29+$0x2880];
	s30 =	sadd.s32 s25, s30  }
0xdc: {  	v11 =	vld [tilespmem:s30+$0x4880];
	_ =	sdelay $0x4  }
0xdd: {  	v10 =	vmul.f32 v10, v9;
	v11 =	vmul.f32 v11, v8;
	_ =	sdelay $0x1  }
0xde: {  	v10 =	vadd.f32 v11, v10;
	_ =	sdelay $0x1  }
0xdf: {  	[tilespmem:s25+$0x6A80] =	vst v10  }
0xe0: {  	v10 =	vld [tilespmem:s29+$0x2890]  }
0xe1: {  	v11 =	vld [tilespmem:s30+$0x4890];
	_ =	sdelay $0x3  }
0xe2: {  	v9 =	vmul.f32 v10, v9  }
0xe3: {  	v8 =	vmul.f32 v11, v8;
	_ =	sdelay $0x1  }
0xe4: {  	v8 =	vadd.f32 v8, v9;
	_ =	sdelay $0x1  }
0xe5: {  	[tilespmem:s25+$0x6A90] =	vst v8  }
0xe6: {  	v8 =	vld [tilespmem:s22+$0x0]  }
0xe7: {  	v9 =	vld [tilespmem:s28+$0x0];
	_ =	sdelay $0x3  }
0xe8: {  	(v2sf) =	vpush v8, $0x0  }
0xe9: {  	(v2sf) =	vpush v9, $0x0;
	_ =	sdelay $0xd  }
0xea: {  	s29 =	spop (v2sf)  }
0xeb: {  	s29 =	sand.u32 $0x3, s29;
	s30 =	spop (v2sf)  }
0xec: {  	s30 =	sand.u32 $0x3, s30  }
0xed: {  	s29 =	sshll.u32 s29, $0x5;
	v8 =	vld.msk [tilespmem:s24+$0x0 ss:$0x0], $0xffff;
	s30 =	sshll.u32 s30, $0x5  }
0xee: {  	s29 =	sadd.s32 s25, s29;
	s30 =	sadd.s32 s25, s30;
	v9 =	vld.msk [tilespmem:s23+$0x0 ss:$0x0], $0xffff  }
0xef: {  	v10 =	vld [tilespmem:s30+$0x5080]  }
0xf0: {  	v11 =	vld [tilespmem:s29+$0x3080];
	_ =	sdelay $0x3  }
0xf1: {  	v10 =	vmul.f32 v10, v9  }
0xf2: {  	v11 =	vmul.f32 v11, v8;
	_ =	sdelay $0x1  }
0xf3: {  	v10 =	vadd.f32 v10, v11;
	_ =	sdelay $0x1  }
0xf4: {  	[tilespmem:s25+$0x7280] =	vst v10  }
0xf5: {  	v10 =	vld [tilespmem:s29+$0x3090]  }
0xf6: {  	v11 =	vld [tilespmem:s30+$0x5090];
	_ =	sdelay $0x4  }
0xf7: {  	v8 =	vmul.f32 v10, v8;
	v9 =	vmul.f32 v11, v9;
	_ =	sdelay $0x1  }
0xf8: {  	v8 =	vadd.f32 v9, v8;
	_ =	sdelay $0x1  }
0xf9: {  	[tilespmem:s25+$0x7290] =	vst v8  }
0xfa: {  	v10 =	vld [tilespmem:s22+$0x10]  }
0xfb: {  	v11 =	vld [tilespmem:s28+$0x10]  }
0xfc: {  	v8 =	vld.msk [tilespmem:s24+$0x10 ss:$0x0], $0xffff  }
0xfd: {  	v9 =	vld.msk [tilespmem:s23+$0x10 ss:$0x0], $0xffff;
	_ =	sdelay $0x1  }
0xfe: {  	(v2sf) =	vpush v10, $0x0  }
0xff: {  	(v2sf) =	vpush v11, $0x0;
	_ =	sdelay $0xd  }
0x100: {  	s29 =	spop (v2sf)  }
0x101: {  	s29 =	sand.u32 $0x3, s29;
	s30 =	spop (v2sf)  }
0x102: {  	s29 =	sshll.u32 s29, $0x5;
	s30 =	sand.u32 $0x3, s30  }
0x103: {  	s29 =	sadd.s32 s25, s29;
	s30 =	sshll.u32 s30, $0x5  }
0x104: {  	v10 =	vld [tilespmem:s29+$0x3880];
	s30 =	sadd.s32 s25, s30  }
0x105: {  	v11 =	vld [tilespmem:s30+$0x5880]  }
.Ltmp1:
0x106: {  	(pc) =	sbr.rel @p0 .LBB2_4-.Ltmp1, $2  }
0x107: {  	_ =	sdelay $0x2  }
0x108: {  	s28 =	sadd.s32 $0x1, s28;
	v10 =	vmul.f32 v10, v8;
	v11 =	vmul.f32 v11, v9  }
0x109: {  	_ = 	snop  }
0x10a: {  	v10 =	vadd.f32 v11, v10;
	_ =	sdelay $0x1  }
0x10b: {  	[tilespmem:s25+$0x7A80] =	vst v10  }
0x10c: {  	v10 =	vld [tilespmem:s29+$0x3890]  }
0x10d: {  	v63 =	vld [tilespmem:s30+$0x5890];
	_ =	sdelay $0x4  }
0x10e: {  	v8 =	vmul.f32 v10, v8;
	v9 =	vmul.f32 v63, v9;
	_ =	sdelay $0x1  }
0x10f: {  	v8 =	vadd.f32 v9, v8;
	_ =	sdelay $0x1  }
0x110: {  	[tilespmem:s25+$0x7A90] =	vst v8  }
0x111: {  	[hbm4b:s5+s2] =	stream.linear.scatter [tilespmem:s16], [sflag:$0x1], $0x2000, $0x38;
	[tilespmem:$0x8280] =	vst v63  }
0x112: {  	_ = 	snop  }
0x113: {  	[hbm4b:s6+s2] =	stream.linear.scatter [tilespmem:s17], [sflag:$0x1], $0x40, $0x38;
	[tilespmem:$0x8280] =	vst v63  }
0x114: {  	_ = 	snop  }
0x115: {  	[hbm4b:s7+s2] =	stream.linear.scatter [tilespmem:s18], [sflag:$0x1], $0x40, $0x38;
	[tilespmem:$0x8280] =	vst v63  }
0x116: {  	_ = 	snop  }
0x117: {  	[hbm4b:s8+s2] =	stream.linear.scatter [tilespmem:s19], [sflag:$0x1], $0x40, $0x38;
	[tilespmem:$0x8280] =	vst v63  }
0x118: {  	_ = 	snop  }
0x119: {  	[hbm4b:s9+s2] =	stream.linear.scatter [tilespmem:s20], [sflag:$0x1], $0x40, $0x38;
	[tilespmem:$0x8280] =	vst v63  }
0x11a: {  	_ =	swait.ge [sflag:s15], $0x2000  }
0x11b: {  	[sflag:s15] =	ssyncset.done $0x0  }
0x11c: {  	[sflag:s15] =	ssyncadd.s32 $0xFFFFE000  }
0x11d: {  	_ =	swait.ge [sflag:s15], $0x40  }
0x11e: {  	[sflag:s15] =	ssyncset.done $0x0  }
0x11f: {  	[sflag:s15] =	ssyncadd.s32 $0xFFFFFFC0  }
0x120: {  	_ =	swait.ge [sflag:s15], $0x40  }
0x121: {  	[sflag:s15] =	ssyncset.done $0x0  }
0x122: {  	s21 =	sadd.s32 $0x1, s21;
	[sflag:s15] =	ssyncadd.s32 $0xFFFFFFC0  }
0x123: {  	p0 =	sne.s32 s21, s10;
	_ =	swait.ge [sflag:s15], $0x40  }
.Ltmp2:
0x124: {  	[sflag:s15] =	ssyncset.done $0x0;
	(pc) =	sbr.rel @p0 .LBB2_1-.Ltmp2, $4  }
0x125: {  	[sflag:s15] =	ssyncadd.s32 $0xFFFFFFC0  }
0x126: {  	_ =	swait.ge [sflag:s15], $0x40  }
0x127: {  	[sflag:s15] =	ssyncset.done $0x0  }
0x128: {  	[sflag:s15] =	ssyncadd.s32 $0xFFFFFFC0  }
0x129: {  	_ =	sfence.sel $0x180000  }
0x12a: {  	[bflag:$0x0] =	sbarrier.arrive $0xFFFF  }
0x12b: {  	p0 =	sne.s32 s1, $0x0;
	_ =	strace $0x90000047  }
0x12c: {  	s0 =	sadd.s32 @!p0 $0x100000, s0;
	[bflag:$0x2] =	sbarrier.arrive $0xFFFF  }
0x12d: {  	[sflag:s0] =	ssyncadd.tile.s32 @!p0 $0x1;
	_ =	shalt  }
.Lfunc_end2:
_tile_overlayer_lowered:
.L_overlay_start_2:
0x12e: {  	(tag) =	ssettag $0x2  }
0x12f: {  	s0 =	rddreg [dreg:$0x0];
	s2 =	stileid.u32  }
0x130: {  	s1 =	rddreg [dreg:$0x1];
	p0 =	sne.s32 s2, $0x0  }
0x131: {  	s3 =	rddreg [dreg:$0x2];
	[bflag:$0x3] =	sbarrier.arrive $0xFFFF;
	s2 =	simm.s32 @!p0 $0x1C02  }
0x132: {  	[timem:s3], [sflag:s2] =	dma.local @!p0 [hbm:s0], s1  }
0x133: {  	s0 =	simm.s32 @!p0 $0x2  }
0x134: {  	_ =	swait.ge @!p0 [sflag:s0], s1  }
0x135: {  	s1 =	ssub.s32 @!p0 $0x0, s1;
	[sflag:s0] =	ssyncset.done @!p0 $0x0  }
0x136: {  	[sflag:s0] =	ssyncadd.s32 @!p0 s1  }
0x137: {  	[bflag:$0x3] =	sbarrier.arrive $0xFFFF  }
0x138: {  	_ =	shalt  }

</sc_bundles>
